<compile_context>
chip_gen: v7x
topology: tpu7x:2x2x1
jax: 0.10.2.dev20260603
libtpu: 0.0.44.dev20260713+nightly
codegen_flags: <defaults>
</compile_context>

<pallas_src>
import functools

import jax
import jax.numpy as jnp
from jax import lax
from jax.experimental import pallas as pl
from jax.experimental.pallas import tpu as pltpu
from jax.experimental.pallas import tpu_sc as plsc

N_NODES = 10000
N_EDGES = 320000
D = 128
D_EDGE = 16

NC = 2
NS = 16
NW = NC * NS
E_HALF = N_EDGES // 2
E_PER_W = E_HALF // NW
CHUNK = 40
N_CHUNKS = E_PER_W // CHUNK

AGG_BE = 1280
AGG_NB = N_EDGES // AGG_BE
AGG_W = 64



def _proj_body(n_ref, ws_ref, wr_ref, ps_ref, pr_ref):
    x = n_ref[...]
    ps_ref[...] = jnp.dot(x, ws_ref[...], preferred_element_type=jnp.float32)
    pr_ref[...] = jnp.dot(x, wr_ref[...], preferred_element_type=jnp.float32)


def _node_body(n_ref, a_ref, w1_ref, w2_ref, b_ref, o_ref):
    o_ref[...] = jnp.maximum(
        jnp.dot(n_ref[...], w1_ref[...], preferred_element_type=jnp.float32)
        + jnp.dot(a_ref[...], w2_ref[...], preferred_element_type=jnp.float32)
        + b_ref[...],
        0.0,
    )



def _sc_body(ps_hbm, s_hbm,
             gp_hbm,
             sidx_f,
             b0, b1, b2, b3,
             sg0, sg1, sg2, sg3,
             sw0, sw1, sw2, sw3):
    c = lax.axis_index("c")
    s = lax.axis_index("s")
    wid = s * NC + c
    edge0 = wid * E_PER_W
    bufs = (b0, b1, b2, b3)
    gsems = (sg0, sg1, sg2, sg3)
    wsems = (sw0, sw1, sw2, sw3)

    def mk_g(k, j):
        return pltpu.make_async_copy(
            ps_hbm.at[sidx_f.at[pl.ds(k * CHUNK, CHUNK)]], bufs[j], gsems[j])

    def mk_w(k, j):
        base = edge0 + k * CHUNK
        return pltpu.make_async_copy(
            bufs[j], gp_hbm.at[pl.ds(base, CHUNK)], wsems[j])

    pltpu.sync_copy(s_hbm.at[pl.ds(edge0, E_PER_W)], sidx_f)

    for j in range(4):
        mk_g(j, j).start()

    last = N_CHUNKS - 1

    def body(i, _):
        for j in range(4):
            k = 4 * i + j
            mk_g(k, j).wait()
            mk_w(k, j).start()
            k2 = k - 2
            j2 = (j + 2) % 4

            @pl.when(k2 >= 0)
            def _():
                mk_w(k2, j2).wait()

            @pl.when((k2 >= 0) & (k2 + 4 <= last))
            def _():
                mk_g(k2 + 4, j2).start()
        return 0
    lax.fori_loop(0, (N_CHUNKS - 1) // 4, body, 0)

    mk_w(last - 2, 2).wait()
    mk_w(last - 1, 3).wait()
    mk_g(last, 0).wait()
    mk_w(last, 0).start()
    mk_w(last, 0).wait()


def _edge_agg_body(first, *refs):
    if first:
        (e_ref, w_ref, b_ref, gp_ref, r_ref, pr_ref,
         ne_ref, agg_ref) = refs
    else:
        (e_ref, w_ref, b_ref, gp_ref, r_ref, pr_ref, _nein_ref, aggin_ref,
         ne_ref, agg_ref) = refs
    i = pl.program_id(0)

    @pl.when(i == 0)
    def _():
        if first:
            agg_ref[...] = jnp.zeros_like(agg_ref)
        else:
            agg_ref[...] = aggin_ref[...]

    pre = (
        jax.lax.dot_general(e_ref[...], w_ref[...], (((0,), (0,)), ((), ())),
                            preferred_element_type=jnp.float32)
        + b_ref[...] + gp_ref[...]
    )
    r = r_ref[0, 0, :]
    rr = r[:, None]
    cols = jax.lax.broadcasted_iota(jnp.int32, (AGG_BE, AGG_W), 1)
    r0 = r[0]
    rmax = r[AGG_BE - 1]
    w0 = jnp.minimum((r0 // 8) * 8, N_NODES - AGG_W)
    nwin = (rmax - w0) // AGG_W + 1

    def mk_oh(k):
        lob = w0 + k * AGG_W
        wk = jnp.minimum(lob, N_NODES - AGG_W)
        oh = ((rr - wk == cols) & (rr >= lob)).astype(jnp.bfloat16)
        return wk, oh

    def expand(k, acc):
        wk, oh = mk_oh(k)
        prw = pr_ref[pl.ds(wk, AGG_W), :].astype(jnp.bfloat16)
        return acc + jax.lax.dot_general(
            oh, prw, (((1,), (0,)), ((), ())),
            preferred_element_type=jnp.float32)
    ne = jnp.maximum(lax.fori_loop(0, nwin, expand, pre), 0.0)
    ne_ref[...] = ne
    neb = ne.astype(jnp.bfloat16)

    def agg_win(k, _):
        wk, oh = mk_oh(k)
        part = jax.lax.dot_general(
            oh, neb, (((0,), (0,)), ((), ())),
            preferred_element_type=jnp.float32)
        agg_ref[pl.ds(wk, AGG_W), :] += part
        return 0
    lax.fori_loop(0, nwin, agg_win, 0)


@functools.lru_cache(maxsize=None)
def _get_sc_edges():
  return pl.kernel(
    _sc_body,
    out_type=jax.ShapeDtypeStruct((E_HALF, D), jnp.float32),
    mesh=plsc.VectorSubcoreMesh(core_axis_name="c", subcore_axis_name="s",
                                num_cores=NC, num_subcores=NS),
    compiler_params=pltpu.CompilerParams(use_tc_tiling_on_sc=True),
    scratch_types=(
        [pltpu.VMEM((E_PER_W,), jnp.int32)]
        + [pltpu.VMEM((CHUNK, D), jnp.float32)] * 4
        + [pltpu.SemaphoreType.DMA] * 8
    ),
  )



@jax.jit
def _run(nodes, edges, senders, receivers, W_edge, b_edge, W_node, b_node):
    w1 = W_edge[:D_EDGE]
    w_es = W_edge[D_EDGE:D_EDGE + D]
    w_er = W_edge[D_EDGE + D:]
    wn1 = W_node[:D]
    wn2 = W_node[D:]
    be = b_edge.reshape(1, D)
    bn = b_node.reshape(1, D)

    nb = 1000
    ps, pr = pl.pallas_call(
        _proj_body,
        grid=(N_NODES // nb,),
        in_specs=[
            pl.BlockSpec((nb, D), lambda i: (i, 0)),
            pl.BlockSpec((D, D), lambda i: (0, 0)),
            pl.BlockSpec((D, D), lambda i: (0, 0)),
        ],
        out_specs=[
            pl.BlockSpec((nb, D), lambda i: (i, 0)),
            pl.BlockSpec((nb, D), lambda i: (i, 0)),
        ],
        out_shape=[
            jax.ShapeDtypeStruct((N_NODES, D), jnp.float32),
            jax.ShapeDtypeStruct((N_NODES, D), jnp.float32),
        ],
    )(nodes, w_es, w_er)

    gps0 = _get_sc_edges()(ps, senders[:E_HALF])
    gps1 = _get_sc_edges()(ps, senders[E_HALF:])

    eT = jnp.swapaxes(edges, 0, 1)
    r3 = receivers.reshape(AGG_NB, 1, AGG_BE)
    nbh = AGG_NB // 2
    out_shapes = [
        jax.ShapeDtypeStruct((N_EDGES, D), jnp.float32),
        jax.ShapeDtypeStruct((N_NODES, D), jnp.float32),
    ]
    ne_a, agg_a = pl.pallas_call(
        functools.partial(_edge_agg_body, True),
        grid=(nbh,),
        in_specs=[
            pl.BlockSpec((D_EDGE, AGG_BE), lambda i: (0, i)),
            pl.BlockSpec((D_EDGE, D), lambda i: (0, 0)),
            pl.BlockSpec((1, D), lambda i: (0, 0)),
            pl.BlockSpec((AGG_BE, D), lambda i: (i, 0)),
            pl.BlockSpec((1, 1, AGG_BE), lambda i: (i, 0, 0)),
            pl.BlockSpec((N_NODES, D), lambda i: (0, 0)),
        ],
        out_specs=[
            pl.BlockSpec((AGG_BE, D), lambda i: (i, 0)),
            pl.BlockSpec((N_NODES, D), lambda i: (0, 0)),
        ],
        out_shape=out_shapes,
    )(eT, w1, be, gps0, r3, pr)
    new_edges, agg = pl.pallas_call(
        functools.partial(_edge_agg_body, False),
        grid=(nbh,),
        in_specs=[
            pl.BlockSpec((D_EDGE, AGG_BE), lambda i: (0, i + nbh)),
            pl.BlockSpec((D_EDGE, D), lambda i: (0, 0)),
            pl.BlockSpec((1, D), lambda i: (0, 0)),
            pl.BlockSpec((AGG_BE, D), lambda i: (i, 0)),
            pl.BlockSpec((1, 1, AGG_BE), lambda i: (i + nbh, 0, 0)),
            pl.BlockSpec((N_NODES, D), lambda i: (0, 0)),
            pl.BlockSpec((8, D), lambda i: (0, 0)),
            pl.BlockSpec((N_NODES, D), lambda i: (0, 0)),
        ],
        out_specs=[
            pl.BlockSpec((AGG_BE, D), lambda i: (i + nbh, 0)),
            pl.BlockSpec((N_NODES, D), lambda i: (0, 0)),
        ],
        out_shape=out_shapes,
        input_output_aliases={6: 0},
    )(eT, w1, be, gps1, r3, pr, ne_a, agg_a)

    new_nodes = pl.pallas_call(
        _node_body,
        grid=(N_NODES // nb,),
        in_specs=[
            pl.BlockSpec((nb, D), lambda i: (i, 0)),
            pl.BlockSpec((nb, D), lambda i: (i, 0)),
            pl.BlockSpec((D, D), lambda i: (0, 0)),
            pl.BlockSpec((D, D), lambda i: (0, 0)),
            pl.BlockSpec((1, D), lambda i: (0, 0)),
        ],
        out_specs=pl.BlockSpec((nb, D), lambda i: (i, 0)),
        out_shape=jax.ShapeDtypeStruct((N_NODES, D), jnp.float32),
    )(nodes, agg, wn1, wn2, bn)

    return new_nodes, new_edges


def kernel(nodes, edges, senders, receivers, W_edge, b_edge, W_node, b_node):
    return _run(nodes, edges, senders, receivers,
                W_edge, b_edge, W_node, b_node)

# --- scband reference (transcript-rebuilt; emitter-appended) ---
"""Pipeline reference for scband-graph-network-37855841747619 (READ-ONLY COPY).

The authoritative reference and input builder live on the scoring server;
editing this copy changes nothing except your own understanding.
"""

import jax, jax.numpy as jnp
import numpy as np

N_NODES = 10000
N_EDGES = 320000
D_FEAT = 128
D_EDGE = 16
EDGE_IN = D_EDGE + 2 * D_FEAT   # 272
NODE_IN = 2 * D_FEAT            # 256


def setup_inputs(seed: int = 0) -> dict:
    key = jax.random.key(seed)
    k1, k2, k3, k4, k5, k6 = jax.random.split(key, 6)
    nodes = jax.random.normal(k1, (N_NODES, D_FEAT), dtype=jnp.float32)
    edges = jax.random.normal(k2, (N_EDGES, D_EDGE), dtype=jnp.float32)
    senders = jax.random.randint(k3, (N_EDGES,), 0, N_NODES, dtype=jnp.int32)
    receivers = jnp.sort(jax.random.randint(k4, (N_EDGES,), 0, N_NODES, dtype=jnp.int32))
    # Learned parameters for update_edge_fn / update_node_fn (single-layer MLPs)
    W_edge = jax.random.normal(k5, (EDGE_IN, D_FEAT), dtype=jnp.float32) * 0.05
    b_edge = jnp.zeros((D_FEAT,), dtype=jnp.float32)
    W_node = jax.random.normal(k6, (NODE_IN, D_FEAT), dtype=jnp.float32) * 0.05
    b_node = jnp.zeros((D_FEAT,), dtype=jnp.float32)
    return {
        "nodes": nodes,
        "edges": edges,
        "senders": senders,
        "receivers": receivers,
        "W_edge": W_edge,
        "b_edge": b_edge,
        "W_node": W_node,
        "b_node": b_node,
    }


def reference(nodes, edges, senders, receivers, W_edge, b_edge, W_node, b_node):
    # update_edge_fn: edges' = relu(concat([edges, sender_feats, receiver_feats]) @ W_edge + b_edge)
    sender_features = jnp.take(nodes, senders, axis=0)
    receiver_features = jnp.take(nodes, receivers, axis=0)
    edge_inputs = jnp.concatenate([edges, sender_features, receiver_features], axis=-1)
    new_edges = jax.nn.relu(edge_inputs @ W_edge + b_edge)
    # aggregate_edges_for_nodes_fn: segment_sum over receivers
    aggregated_edges = jax.ops.segment_sum(new_edges, receivers, num_segments=nodes.shape[0])
    # update_node_fn: nodes' = relu(concat([nodes, agg]) @ W_node + b_node)
    node_inputs = jnp.concatenate([nodes, aggregated_edges], axis=-1)
    new_nodes = jax.nn.relu(node_inputs @ W_node + b_node)
    # globals_ is None and update_global_fn is None -> no global update
    return (new_nodes, new_edges)

if __name__ == "__main__":
    import jax
    _d = setup_inputs()
    print(jax.jit(kernel)(*tuple(_d.values())))

</pallas_src>

<mosaic_0001>
#map = affine_map<(d0, d1) -> (0, 0)>
#map1 = affine_map<(d0, d1) -> (0)>
module attributes {stable_mosaic.version = 14 : i64} {
  func.func @_sc_body(%arg0: i32, %arg1: i32, %arg2: memref<10000x128xf32, #tpu.memory_space<hbm>>, %arg3: memref<160000xi32, #tpu.memory_space<hbm>>, %arg4: memref<160000x128xf32, #tpu.memory_space<hbm>>, %arg5: memref<5000xi32, #tpu.memory_space<vmem>>, %arg6: memref<40x128xf32, #tpu.memory_space<vmem>>, %arg7: memref<40x128xf32, #tpu.memory_space<vmem>>, %arg8: memref<40x128xf32, #tpu.memory_space<vmem>>, %arg9: memref<40x128xf32, #tpu.memory_space<vmem>>, %arg10: memref<!tpu.dma_semaphore, #tpu.memory_space<semaphore_mem>>, %arg11: memref<!tpu.dma_semaphore, #tpu.memory_space<semaphore_mem>>, %arg12: memref<!tpu.dma_semaphore, #tpu.memory_space<semaphore_mem>>, %arg13: memref<!tpu.dma_semaphore, #tpu.memory_space<semaphore_mem>>, %arg14: memref<!tpu.dma_semaphore, #tpu.memory_space<semaphore_mem>>, %arg15: memref<!tpu.dma_semaphore, #tpu.memory_space<semaphore_mem>>, %arg16: memref<!tpu.dma_semaphore, #tpu.memory_space<semaphore_mem>>, %arg17: memref<!tpu.dma_semaphore, #tpu.memory_space<semaphore_mem>>) attributes {dimension_semantics = [#tpu.dimension_semantics<core_parallel>, #tpu.dimension_semantics<subcore_parallel>], iteration_bounds = array<i64: 2, 16>, scalar_prefetch = 0 : i64, scratch_operands = 13 : i64, tpu.core_type = #tpu.core_type<sc_vector_subcore>, window_params = [{transform_indices = #map}, {transform_indices = #map1}, {transform_indices = #map}]} {
    %mul3A = arith.constant 2 : i32
    %mul3A_0 = arith.muli %arg1, %mul3A : i32
    %add3A = arith.addi %mul3A_0, %arg0 : i32
    %mul3A_1 = arith.constant 5000 : i32
    %mul3A_2 = arith.muli %add3A, %mul3A_1 : i32
    "tpu.region"() ({
      %run_scoped3A = tpu.sem_alloc : memref<!tpu.dma_semaphore, #tpu.memory_space<semaphore_mem>>
      %dma_start3A_56 = tpu.memref_slice %arg3[%mul3A_2] : memref<160000xi32, #tpu.memory_space<hbm>> -> memref<5000xi32, #tpu.memory_space<hbm>>
      %dma_start3A_57 = tpu.memref_slice %arg3[%mul3A_2] : memref<160000xi32, #tpu.memory_space<hbm>> -> memref<5000xi32, #tpu.memory_space<hbm>>
      tpu.enqueue_dma source(%dma_start3A_57 : memref<5000xi32, #tpu.memory_space<hbm>>) target(%arg5 : memref<5000xi32, #tpu.memory_space<vmem>>) target_semaphore(%run_scoped3A : memref<!tpu.dma_semaphore, #tpu.memory_space<semaphore_mem>>)
      %dma_wait3A_58 = tpu.memref_slice %arg3[%mul3A_2] : memref<160000xi32, #tpu.memory_space<hbm>> -> memref<5000xi32, #tpu.memory_space<hbm>>
      %dma_wait3A_59 = tpu.memref_slice %arg3[%mul3A_2] : memref<160000xi32, #tpu.memory_space<hbm>> -> memref<5000xi32, #tpu.memory_space<hbm>>
      tpu.wait_dma2 semaphore(%run_scoped3A : memref<!tpu.dma_semaphore, #tpu.memory_space<semaphore_mem>>) src(%dma_wait3A_59 : memref<5000xi32, #tpu.memory_space<hbm>>) dst(%arg5 : memref<5000xi32, #tpu.memory_space<vmem>>)
      tpu.yield
    }) : () -> ()
    %dma_start3A = arith.constant 0 : i32
    %dma_start3A_3 = tpu.memref_slice %arg5[%dma_start3A] : memref<5000xi32, #tpu.memory_space<vmem>> -> memref<40xi32, #tpu.memory_space<vmem>>
    %dma_start3A_4 = arith.constant 0 : i32
    %dma_start3A_5 = arith.constant 0 : i32
    %dma_start3A_6 = tpu.memref_slice %arg2[%dma_start3A_4, %dma_start3A_5] : memref<10000x128xf32, #tpu.memory_space<hbm>> -> memref<10000x128xf32, #tpu.memory_space<hbm>>
    tpu.enqueue_indirect_dma source(%dma_start3A_6 : memref<10000x128xf32, #tpu.memory_space<hbm>>) target(%arg6 : memref<40x128xf32, #tpu.memory_space<vmem>>) offsets(%dma_start3A_3 : memref<40xi32, #tpu.memory_space<vmem>>) semaphore(%arg10 : memref<!tpu.dma_semaphore, #tpu.memory_space<semaphore_mem>>)
    %dma_start3A_7 = arith.constant 40 : i32
    %dma_start3A_8 = tpu.memref_slice %arg5[%dma_start3A_7] : memref<5000xi32, #tpu.memory_space<vmem>> -> memref<40xi32, #tpu.memory_space<vmem>>
    %dma_start3A_9 = arith.constant 0 : i32
    %dma_start3A_10 = arith.constant 0 : i32
    %dma_start3A_11 = tpu.memref_slice %arg2[%dma_start3A_9, %dma_start3A_10] : memref<10000x128xf32, #tpu.memory_space<hbm>> -> memref<10000x128xf32, #tpu.memory_space<hbm>>
    tpu.enqueue_indirect_dma source(%dma_start3A_11 : memref<10000x128xf32, #tpu.memory_space<hbm>>) target(%arg7 : memref<40x128xf32, #tpu.memory_space<vmem>>) offsets(%dma_start3A_8 : memref<40xi32, #tpu.memory_space<vmem>>) semaphore(%arg11 : memref<!tpu.dma_semaphore, #tpu.memory_space<semaphore_mem>>)
    %dma_start3A_12 = arith.constant 80 : i32
    %dma_start3A_13 = tpu.memref_slice %arg5[%dma_start3A_12] : memref<5000xi32, #tpu.memory_space<vmem>> -> memref<40xi32, #tpu.memory_space<vmem>>
    %dma_start3A_14 = arith.constant 0 : i32
    %dma_start3A_15 = arith.constant 0 : i32
    %dma_start3A_16 = tpu.memref_slice %arg2[%dma_start3A_14, %dma_start3A_15] : memref<10000x128xf32, #tpu.memory_space<hbm>> -> memref<10000x128xf32, #tpu.memory_space<hbm>>
    tpu.enqueue_indirect_dma source(%dma_start3A_16 : memref<10000x128xf32, #tpu.memory_space<hbm>>) target(%arg8 : memref<40x128xf32, #tpu.memory_space<vmem>>) offsets(%dma_start3A_13 : memref<40xi32, #tpu.memory_space<vmem>>) semaphore(%arg12 : memref<!tpu.dma_semaphore, #tpu.memory_space<semaphore_mem>>)
    %dma_start3A_17 = arith.constant 120 : i32
    %dma_start3A_18 = tpu.memref_slice %arg5[%dma_start3A_17] : memref<5000xi32, #tpu.memory_space<vmem>> -> memref<40xi32, #tpu.memory_space<vmem>>
    %dma_start3A_19 = arith.constant 0 : i32
    %dma_start3A_20 = arith.constant 0 : i32
    %dma_start3A_21 = tpu.memref_slice %arg2[%dma_start3A_19, %dma_start3A_20] : memref<10000x128xf32, #tpu.memory_space<hbm>> -> memref<10000x128xf32, #tpu.memory_space<hbm>>
    tpu.enqueue_indirect_dma source(%dma_start3A_21 : memref<10000x128xf32, #tpu.memory_space<hbm>>) target(%arg9 : memref<40x128xf32, #tpu.memory_space<vmem>>) offsets(%dma_start3A_18 : memref<40xi32, #tpu.memory_space<vmem>>) semaphore(%arg13 : memref<!tpu.dma_semaphore, #tpu.memory_space<semaphore_mem>>)
    %scan3A = arith.constant 0 : i32
    %scan3A_22 = arith.constant 0 : i32
    %scan3A_23 = arith.constant 31 : i32
    %scan3A_24 = arith.addi %scan3A_22, %scan3A_23 : i32
    %scan3A_25 = arith.constant 1 : i32
    %scan3A_26 = scf.for %scan3A_56 = %scan3A_22 to %scan3A_24 step %scan3A_25 iter_args(%scan3A_57 = %scan3A) -> (i32)  : i32 {
      %mul3A_58 = arith.constant 4 : i32
      %mul3A_59 = arith.muli %mul3A_58, %scan3A_56 : i32
      %add3A_60 = arith.constant 0 : i32
      %add3A_61 = arith.addi %mul3A_59, %add3A_60 : i32
      %mul3A_62 = arith.constant 40 : i32
      %mul3A_63 = arith.muli %add3A_61, %mul3A_62 : i32
      %dma_wait3A_64 = tpu.memref_slice %arg5[%mul3A_63] : memref<5000xi32, #tpu.memory_space<vmem>> -> memref<40xi32, #tpu.memory_space<vmem>>
      %dma_wait3A_65 = arith.constant 0 : i32
      %dma_wait3A_66 = arith.constant 0 : i32
      %dma_wait3A_67 = tpu.memref_slice %arg2[%dma_wait3A_65, %dma_wait3A_66] : memref<10000x128xf32, #tpu.memory_space<hbm>> -> memref<10000x128xf32, #tpu.memory_space<hbm>>
      tpu.wait_indirect_dma semaphore(%arg10 : memref<!tpu.dma_semaphore, #tpu.memory_space<semaphore_mem>>) src(%dma_wait3A_67 : memref<10000x128xf32, #tpu.memory_space<hbm>>) dst(%arg6 : memref<40x128xf32, #tpu.memory_space<vmem>>)
      %mul3A_68 = arith.constant 40 : i32
      %mul3A_69 = arith.muli %add3A_61, %mul3A_68 : i32
      %add3A_70 = arith.addi %mul3A_2, %mul3A_69 : i32
      %dma_start3A_71 = arith.constant 0 : i32
      %dma_start3A_72 = tpu.memref_slice %arg4[%add3A_70, %dma_start3A_71] : memref<160000x128xf32, #tpu.memory_space<hbm>> -> memref<40x128xf32, #tpu.memory_space<hbm>>
      %dma_start3A_73 = arith.constant 0 : i32
      %dma_start3A_74 = tpu.memref_slice %arg4[%add3A_70, %dma_start3A_73] : memref<160000x128xf32, #tpu.memory_space<hbm>> -> memref<40x128xf32, #tpu.memory_space<hbm>>
      tpu.enqueue_dma source(%arg6 : memref<40x128xf32, #tpu.memory_space<vmem>>) target(%dma_start3A_74 : memref<40x128xf32, #tpu.memory_space<hbm>>) target_semaphore(%arg14 : memref<!tpu.dma_semaphore, #tpu.memory_space<semaphore_mem>>)
      %sub3A = arith.constant 2 : i32
      %sub3A_75 = arith.subi %add3A_61, %sub3A : i32
      %ge3A = arith.constant 0 : i32
      %ge3A_76 = arith.cmpi sge, %sub3A_75, %ge3A : i32
      %convert_element_type3A = arith.extui %ge3A_76 : i1 to i32
      %cond3A = arith.constant 0 : i32
      %cond3A_77 = arith.cmpi ne, %convert_element_type3A, %cond3A : i32
      scf.if %cond3A_77 {
        %mul3A_189 = arith.constant 40 : i32
        %mul3A_190 = arith.muli %sub3A_75, %mul3A_189 : i32
        %add3A_191 = arith.addi %mul3A_2, %mul3A_190 : i32
        %dma_wait3A_192 = arith.constant 0 : i32
        %dma_wait3A_193 = tpu.memref_slice %arg4[%add3A_191, %dma_wait3A_192] : memref<160000x128xf32, #tpu.memory_space<hbm>> -> memref<40x128xf32, #tpu.memory_space<hbm>>
        %dma_wait3A_194 = arith.constant 0 : i32
        %dma_wait3A_195 = tpu.memref_slice %arg4[%add3A_191, %dma_wait3A_194] : memref<160000x128xf32, #tpu.memory_space<hbm>> -> memref<40x128xf32, #tpu.memory_space<hbm>>
        tpu.wait_dma2 semaphore(%arg16 : memref<!tpu.dma_semaphore, #tpu.memory_space<semaphore_mem>>) src(%arg8 : memref<40x128xf32, #tpu.memory_space<vmem>>) dst(%dma_wait3A_195 : memref<40x128xf32, #tpu.memory_space<hbm>>)
      } else {
      }
      %ge3A_78 = arith.constant 0 : i32
      %ge3A_79 = arith.cmpi sge, %sub3A_75, %ge3A_78 : i32
      %add3A_80 = arith.constant 4 : i32
      %add3A_81 = arith.addi %sub3A_75, %add3A_80 : i32
      %le3A = arith.constant 124 : i32
      %le3A_82 = arith.cmpi sle, %add3A_81, %le3A : i32
      %and3A = arith.andi %ge3A_79, %le3A_82 : i1
      %convert_element_type3A_83 = arith.extui %and3A : i1 to i32
      %cond3A_84 = arith.constant 0 : i32
      %cond3A_85 = arith.cmpi ne, %convert_element_type3A_83, %cond3A_84 : i32
      scf.if %cond3A_85 {
        %add3A_189 = arith.constant 4 : i32
        %add3A_190 = arith.addi %sub3A_75, %add3A_189 : i32
        %mul3A_191 = arith.constant 40 : i32
        %mul3A_192 = arith.muli %add3A_190, %mul3A_191 : i32
        %dma_start3A_193 = tpu.memref_slice %arg5[%mul3A_192] : memref<5000xi32, #tpu.memory_space<vmem>> -> memref<40xi32, #tpu.memory_space<vmem>>
        %dma_start3A_194 = arith.constant 0 : i32
        %dma_start3A_195 = arith.constant 0 : i32
        %dma_start3A_196 = tpu.memref_slice %arg2[%dma_start3A_194, %dma_start3A_195] : memref<10000x128xf32, #tpu.memory_space<hbm>> -> memref<10000x128xf32, #tpu.memory_space<hbm>>
        tpu.enqueue_indirect_dma source(%dma_start3A_196 : memref<10000x128xf32, #tpu.memory_space<hbm>>) target(%arg8 : memref<40x128xf32, #tpu.memory_space<vmem>>) offsets(%dma_start3A_193 : memref<40xi32, #tpu.memory_space<vmem>>) semaphore(%arg12 : memref<!tpu.dma_semaphore, #tpu.memory_space<semaphore_mem>>)
      } else {
      }
      %mul3A_86 = arith.constant 4 : i32
      %mul3A_87 = arith.muli %mul3A_86, %scan3A_56 : i32
      %add3A_88 = arith.constant 1 : i32
      %add3A_89 = arith.addi %mul3A_87, %add3A_88 : i32
      %mul3A_90 = arith.constant 40 : i32
      %mul3A_91 = arith.muli %add3A_89, %mul3A_90 : i32
      %dma_wait3A_92 = tpu.memref_slice %arg5[%mul3A_91] : memref<5000xi32, #tpu.memory_space<vmem>> -> memref<40xi32, #tpu.memory_space<vmem>>
      %dma_wait3A_93 = arith.constant 0 : i32
      %dma_wait3A_94 = arith.constant 0 : i32
      %dma_wait3A_95 = tpu.memref_slice %arg2[%dma_wait3A_93, %dma_wait3A_94] : memref<10000x128xf32, #tpu.memory_space<hbm>> -> memref<10000x128xf32, #tpu.memory_space<hbm>>
      tpu.wait_indirect_dma semaphore(%arg11 : memref<!tpu.dma_semaphore, #tpu.memory_space<semaphore_mem>>) src(%dma_wait3A_95 : memref<10000x128xf32, #tpu.memory_space<hbm>>) dst(%arg7 : memref<40x128xf32, #tpu.memory_space<vmem>>)
      %mul3A_96 = arith.constant 40 : i32
      %mul3A_97 = arith.muli %add3A_89, %mul3A_96 : i32
      %add3A_98 = arith.addi %mul3A_2, %mul3A_97 : i32
      %dma_start3A_99 = arith.constant 0 : i32
      %dma_start3A_100 = tpu.memref_slice %arg4[%add3A_98, %dma_start3A_99] : memref<160000x128xf32, #tpu.memory_space<hbm>> -> memref<40x128xf32, #tpu.memory_space<hbm>>
      %dma_start3A_101 = arith.constant 0 : i32
      %dma_start3A_102 = tpu.memref_slice %arg4[%add3A_98, %dma_start3A_101] : memref<160000x128xf32, #tpu.memory_space<hbm>> -> memref<40x128xf32, #tpu.memory_space<hbm>>
      tpu.enqueue_dma source(%arg7 : memref<40x128xf32, #tpu.memory_space<vmem>>) target(%dma_start3A_102 : memref<40x128xf32, #tpu.memory_space<hbm>>) target_semaphore(%arg15 : memref<!tpu.dma_semaphore, #tpu.memory_space<semaphore_mem>>)
      %sub3A_103 = arith.constant 2 : i32
      %sub3A_104 = arith.subi %add3A_89, %sub3A_103 : i32
      %ge3A_105 = arith.constant 0 : i32
      %ge3A_106 = arith.cmpi sge, %sub3A_104, %ge3A_105 : i32
      %convert_element_type3A_107 = arith.extui %ge3A_106 : i1 to i32
      %cond3A_108 = arith.constant 0 : i32
      %cond3A_109 = arith.cmpi ne, %convert_element_type3A_107, %cond3A_108 : i32
      scf.if %cond3A_109 {
        %mul3A_189 = arith.constant 40 : i32
        %mul3A_190 = arith.muli %sub3A_104, %mul3A_189 : i32
        %add3A_191 = arith.addi %mul3A_2, %mul3A_190 : i32
        %dma_wait3A_192 = arith.constant 0 : i32
        %dma_wait3A_193 = tpu.memref_slice %arg4[%add3A_191, %dma_wait3A_192] : memref<160000x128xf32, #tpu.memory_space<hbm>> -> memref<40x128xf32, #tpu.memory_space<hbm>>
        %dma_wait3A_194 = arith.constant 0 : i32
        %dma_wait3A_195 = tpu.memref_slice %arg4[%add3A_191, %dma_wait3A_194] : memref<160000x128xf32, #tpu.memory_space<hbm>> -> memref<40x128xf32, #tpu.memory_space<hbm>>
        tpu.wait_dma2 semaphore(%arg17 : memref<!tpu.dma_semaphore, #tpu.memory_space<semaphore_mem>>) src(%arg9 : memref<40x128xf32, #tpu.memory_space<vmem>>) dst(%dma_wait3A_195 : memref<40x128xf32, #tpu.memory_space<hbm>>)
      } else {
      }
      %ge3A_110 = arith.constant 0 : i32
      %ge3A_111 = arith.cmpi sge, %sub3A_104, %ge3A_110 : i32
      %add3A_112 = arith.constant 4 : i32
      %add3A_113 = arith.addi %sub3A_104, %add3A_112 : i32
      %le3A_114 = arith.constant 124 : i32
      %le3A_115 = arith.cmpi sle, %add3A_113, %le3A_114 : i32
      %and3A_116 = arith.andi %ge3A_111, %le3A_115 : i1
      %convert_element_type3A_117 = arith.extui %and3A_116 : i1 to i32
      %cond3A_118 = arith.constant 0 : i32
      %cond3A_119 = arith.cmpi ne, %convert_element_type3A_117, %cond3A_118 : i32
      scf.if %cond3A_119 {
        %add3A_189 = arith.constant 4 : i32
        %add3A_190 = arith.addi %sub3A_104, %add3A_189 : i32
        %mul3A_191 = arith.constant 40 : i32
        %mul3A_192 = arith.muli %add3A_190, %mul3A_191 : i32
        %dma_start3A_193 = tpu.memref_slice %arg5[%mul3A_192] : memref<5000xi32, #tpu.memory_space<vmem>> -> memref<40xi32, #tpu.memory_space<vmem>>
        %dma_start3A_194 = arith.constant 0 : i32
        %dma_start3A_195 = arith.constant 0 : i32
        %dma_start3A_196 = tpu.memref_slice %arg2[%dma_start3A_194, %dma_start3A_195] : memref<10000x128xf32, #tpu.memory_space<hbm>> -> memref<10000x128xf32, #tpu.memory_space<hbm>>
        tpu.enqueue_indirect_dma source(%dma_start3A_196 : memref<10000x128xf32, #tpu.memory_space<hbm>>) target(%arg9 : memref<40x128xf32, #tpu.memory_space<vmem>>) offsets(%dma_start3A_193 : memref<40xi32, #tpu.memory_space<vmem>>) semaphore(%arg13 : memref<!tpu.dma_semaphore, #tpu.memory_space<semaphore_mem>>)
      } else {
      }
      %mul3A_120 = arith.constant 4 : i32
      %mul3A_121 = arith.muli %mul3A_120, %scan3A_56 : i32
      %add3A_122 = arith.constant 2 : i32
      %add3A_123 = arith.addi %mul3A_121, %add3A_122 : i32
      %mul3A_124 = arith.constant 40 : i32
      %mul3A_125 = arith.muli %add3A_123, %mul3A_124 : i32
      %dma_wait3A_126 = tpu.memref_slice %arg5[%mul3A_125] : memref<5000xi32, #tpu.memory_space<vmem>> -> memref<40xi32, #tpu.memory_space<vmem>>
      %dma_wait3A_127 = arith.constant 0 : i32
      %dma_wait3A_128 = arith.constant 0 : i32
      %dma_wait3A_129 = tpu.memref_slice %arg2[%dma_wait3A_127, %dma_wait3A_128] : memref<10000x128xf32, #tpu.memory_space<hbm>> -> memref<10000x128xf32, #tpu.memory_space<hbm>>
      tpu.wait_indirect_dma semaphore(%arg12 : memref<!tpu.dma_semaphore, #tpu.memory_space<semaphore_mem>>) src(%dma_wait3A_129 : memref<10000x128xf32, #tpu.memory_space<hbm>>) dst(%arg8 : memref<40x128xf32, #tpu.memory_space<vmem>>)
      %mul3A_130 = arith.constant 40 : i32
      %mul3A_131 = arith.muli %add3A_123, %mul3A_130 : i32
      %add3A_132 = arith.addi %mul3A_2, %mul3A_131 : i32
      %dma_start3A_133 = arith.constant 0 : i32
      %dma_start3A_134 = tpu.memref_slice %arg4[%add3A_132, %dma_start3A_133] : memref<160000x128xf32, #tpu.memory_space<hbm>> -> memref<40x128xf32, #tpu.memory_space<hbm>>
      %dma_start3A_135 = arith.constant 0 : i32
      %dma_start3A_136 = tpu.memref_slice %arg4[%add3A_132, %dma_start3A_135] : memref<160000x128xf32, #tpu.memory_space<hbm>> -> memref<40x128xf32, #tpu.memory_space<hbm>>
      tpu.enqueue_dma source(%arg8 : memref<40x128xf32, #tpu.memory_space<vmem>>) target(%dma_start3A_136 : memref<40x128xf32, #tpu.memory_space<hbm>>) target_semaphore(%arg16 : memref<!tpu.dma_semaphore, #tpu.memory_space<semaphore_mem>>)
      %sub3A_137 = arith.constant 2 : i32
      %sub3A_138 = arith.subi %add3A_123, %sub3A_137 : i32
      %ge3A_139 = arith.constant 0 : i32
      %ge3A_140 = arith.cmpi sge, %sub3A_138, %ge3A_139 : i32
      %convert_element_type3A_141 = arith.extui %ge3A_140 : i1 to i32
      %cond3A_142 = arith.constant 0 : i32
      %cond3A_143 = arith.cmpi ne, %convert_element_type3A_141, %cond3A_142 : i32
      scf.if %cond3A_143 {
        %mul3A_189 = arith.constant 40 : i32
        %mul3A_190 = arith.muli %sub3A_138, %mul3A_189 : i32
        %add3A_191 = arith.addi %mul3A_2, %mul3A_190 : i32
        %dma_wait3A_192 = arith.constant 0 : i32
        %dma_wait3A_193 = tpu.memref_slice %arg4[%add3A_191, %dma_wait3A_192] : memref<160000x128xf32, #tpu.memory_space<hbm>> -> memref<40x128xf32, #tpu.memory_space<hbm>>
        %dma_wait3A_194 = arith.constant 0 : i32
        %dma_wait3A_195 = tpu.memref_slice %arg4[%add3A_191, %dma_wait3A_194] : memref<160000x128xf32, #tpu.memory_space<hbm>> -> memref<40x128xf32, #tpu.memory_space<hbm>>
        tpu.wait_dma2 semaphore(%arg14 : memref<!tpu.dma_semaphore, #tpu.memory_space<semaphore_mem>>) src(%arg6 : memref<40x128xf32, #tpu.memory_space<vmem>>) dst(%dma_wait3A_195 : memref<40x128xf32, #tpu.memory_space<hbm>>)
      } else {
      }
      %ge3A_144 = arith.constant 0 : i32
      %ge3A_145 = arith.cmpi sge, %sub3A_138, %ge3A_144 : i32
      %add3A_146 = arith.constant 4 : i32
      %add3A_147 = arith.addi %sub3A_138, %add3A_146 : i32
      %le3A_148 = arith.constant 124 : i32
      %le3A_149 = arith.cmpi sle, %add3A_147, %le3A_148 : i32
      %and3A_150 = arith.andi %ge3A_145, %le3A_149 : i1
      %convert_element_type3A_151 = arith.extui %and3A_150 : i1 to i32
      %cond3A_152 = arith.constant 0 : i32
      %cond3A_153 = arith.cmpi ne, %convert_element_type3A_151, %cond3A_152 : i32
      scf.if %cond3A_153 {
        %add3A_189 = arith.constant 4 : i32
        %add3A_190 = arith.addi %sub3A_138, %add3A_189 : i32
        %mul3A_191 = arith.constant 40 : i32
        %mul3A_192 = arith.muli %add3A_190, %mul3A_191 : i32
        %dma_start3A_193 = tpu.memref_slice %arg5[%mul3A_192] : memref<5000xi32, #tpu.memory_space<vmem>> -> memref<40xi32, #tpu.memory_space<vmem>>
        %dma_start3A_194 = arith.constant 0 : i32
        %dma_start3A_195 = arith.constant 0 : i32
        %dma_start3A_196 = tpu.memref_slice %arg2[%dma_start3A_194, %dma_start3A_195] : memref<10000x128xf32, #tpu.memory_space<hbm>> -> memref<10000x128xf32, #tpu.memory_space<hbm>>
        tpu.enqueue_indirect_dma source(%dma_start3A_196 : memref<10000x128xf32, #tpu.memory_space<hbm>>) target(%arg6 : memref<40x128xf32, #tpu.memory_space<vmem>>) offsets(%dma_start3A_193 : memref<40xi32, #tpu.memory_space<vmem>>) semaphore(%arg10 : memref<!tpu.dma_semaphore, #tpu.memory_space<semaphore_mem>>)
      } else {
      }
      %mul3A_154 = arith.constant 4 : i32
      %mul3A_155 = arith.muli %mul3A_154, %scan3A_56 : i32
      %add3A_156 = arith.constant 3 : i32
      %add3A_157 = arith.addi %mul3A_155, %add3A_156 : i32
      %mul3A_158 = arith.constant 40 : i32
      %mul3A_159 = arith.muli %add3A_157, %mul3A_158 : i32
      %dma_wait3A_160 = tpu.memref_slice %arg5[%mul3A_159] : memref<5000xi32, #tpu.memory_space<vmem>> -> memref<40xi32, #tpu.memory_space<vmem>>
      %dma_wait3A_161 = arith.constant 0 : i32
      %dma_wait3A_162 = arith.constant 0 : i32
      %dma_wait3A_163 = tpu.memref_slice %arg2[%dma_wait3A_161, %dma_wait3A_162] : memref<10000x128xf32, #tpu.memory_space<hbm>> -> memref<10000x128xf32, #tpu.memory_space<hbm>>
      tpu.wait_indirect_dma semaphore(%arg13 : memref<!tpu.dma_semaphore, #tpu.memory_space<semaphore_mem>>) src(%dma_wait3A_163 : memref<10000x128xf32, #tpu.memory_space<hbm>>) dst(%arg9 : memref<40x128xf32, #tpu.memory_space<vmem>>)
      %mul3A_164 = arith.constant 40 : i32
      %mul3A_165 = arith.muli %add3A_157, %mul3A_164 : i32
      %add3A_166 = arith.addi %mul3A_2, %mul3A_165 : i32
      %dma_start3A_167 = arith.constant 0 : i32
      %dma_start3A_168 = tpu.memref_slice %arg4[%add3A_166, %dma_start3A_167] : memref<160000x128xf32, #tpu.memory_space<hbm>> -> memref<40x128xf32, #tpu.memory_space<hbm>>
      %dma_start3A_169 = arith.constant 0 : i32
      %dma_start3A_170 = tpu.memref_slice %arg4[%add3A_166, %dma_start3A_169] : memref<160000x128xf32, #tpu.memory_space<hbm>> -> memref<40x128xf32, #tpu.memory_space<hbm>>
      tpu.enqueue_dma source(%arg9 : memref<40x128xf32, #tpu.memory_space<vmem>>) target(%dma_start3A_170 : memref<40x128xf32, #tpu.memory_space<hbm>>) target_semaphore(%arg17 : memref<!tpu.dma_semaphore, #tpu.memory_space<semaphore_mem>>)
      %sub3A_171 = arith.constant 2 : i32
      %sub3A_172 = arith.subi %add3A_157, %sub3A_171 : i32
      %ge3A_173 = arith.constant 0 : i32
      %ge3A_174 = arith.cmpi sge, %sub3A_172, %ge3A_173 : i32
      %convert_element_type3A_175 = arith.extui %ge3A_174 : i1 to i32
      %cond3A_176 = arith.constant 0 : i32
      %cond3A_177 = arith.cmpi ne, %convert_element_type3A_175, %cond3A_176 : i32
      scf.if %cond3A_177 {
        %mul3A_189 = arith.constant 40 : i32
        %mul3A_190 = arith.muli %sub3A_172, %mul3A_189 : i32
        %add3A_191 = arith.addi %mul3A_2, %mul3A_190 : i32
        %dma_wait3A_192 = arith.constant 0 : i32
        %dma_wait3A_193 = tpu.memref_slice %arg4[%add3A_191, %dma_wait3A_192] : memref<160000x128xf32, #tpu.memory_space<hbm>> -> memref<40x128xf32, #tpu.memory_space<hbm>>
        %dma_wait3A_194 = arith.constant 0 : i32
        %dma_wait3A_195 = tpu.memref_slice %arg4[%add3A_191, %dma_wait3A_194] : memref<160000x128xf32, #tpu.memory_space<hbm>> -> memref<40x128xf32, #tpu.memory_space<hbm>>
        tpu.wait_dma2 semaphore(%arg15 : memref<!tpu.dma_semaphore, #tpu.memory_space<semaphore_mem>>) src(%arg7 : memref<40x128xf32, #tpu.memory_space<vmem>>) dst(%dma_wait3A_195 : memref<40x128xf32, #tpu.memory_space<hbm>>)
      } else {
      }
      %ge3A_178 = arith.constant 0 : i32
      %ge3A_179 = arith.cmpi sge, %sub3A_172, %ge3A_178 : i32
      %add3A_180 = arith.constant 4 : i32
      %add3A_181 = arith.addi %sub3A_172, %add3A_180 : i32
      %le3A_182 = arith.constant 124 : i32
      %le3A_183 = arith.cmpi sle, %add3A_181, %le3A_182 : i32
      %and3A_184 = arith.andi %ge3A_179, %le3A_183 : i1
      %convert_element_type3A_185 = arith.extui %and3A_184 : i1 to i32
      %cond3A_186 = arith.constant 0 : i32
      %cond3A_187 = arith.cmpi ne, %convert_element_type3A_185, %cond3A_186 : i32
      scf.if %cond3A_187 {
        %add3A_189 = arith.constant 4 : i32
        %add3A_190 = arith.addi %sub3A_172, %add3A_189 : i32
        %mul3A_191 = arith.constant 40 : i32
        %mul3A_192 = arith.muli %add3A_190, %mul3A_191 : i32
        %dma_start3A_193 = tpu.memref_slice %arg5[%mul3A_192] : memref<5000xi32, #tpu.memory_space<vmem>> -> memref<40xi32, #tpu.memory_space<vmem>>
        %dma_start3A_194 = arith.constant 0 : i32
        %dma_start3A_195 = arith.constant 0 : i32
        %dma_start3A_196 = tpu.memref_slice %arg2[%dma_start3A_194, %dma_start3A_195] : memref<10000x128xf32, #tpu.memory_space<hbm>> -> memref<10000x128xf32, #tpu.memory_space<hbm>>
        tpu.enqueue_indirect_dma source(%dma_start3A_196 : memref<10000x128xf32, #tpu.memory_space<hbm>>) target(%arg7 : memref<40x128xf32, #tpu.memory_space<vmem>>) offsets(%dma_start3A_193 : memref<40xi32, #tpu.memory_space<vmem>>) semaphore(%arg11 : memref<!tpu.dma_semaphore, #tpu.memory_space<semaphore_mem>>)
      } else {
      }
      %scan3A_188 = arith.constant 0 : i32
      scf.yield %scan3A_188 : i32
    }
    %scan3A_27 = arith.constant 31 : i32
    %add3A_28 = arith.constant 4880 : i32
    %add3A_29 = arith.addi %mul3A_2, %add3A_28 : i32
    %dma_wait3A = arith.constant 0 : i32
    %dma_wait3A_30 = tpu.memref_slice %arg4[%add3A_29, %dma_wait3A] : memref<160000x128xf32, #tpu.memory_space<hbm>> -> memref<40x128xf32, #tpu.memory_space<hbm>>
    %dma_wait3A_31 = arith.constant 0 : i32
    %dma_wait3A_32 = tpu.memref_slice %arg4[%add3A_29, %dma_wait3A_31] : memref<160000x128xf32, #tpu.memory_space<hbm>> -> memref<40x128xf32, #tpu.memory_space<hbm>>
    tpu.wait_dma2 semaphore(%arg16 : memref<!tpu.dma_semaphore, #tpu.memory_space<semaphore_mem>>) src(%arg8 : memref<40x128xf32, #tpu.memory_space<vmem>>) dst(%dma_wait3A_32 : memref<40x128xf32, #tpu.memory_space<hbm>>)
    %add3A_33 = arith.constant 4920 : i32
    %add3A_34 = arith.addi %mul3A_2, %add3A_33 : i32
    %dma_wait3A_35 = arith.constant 0 : i32
    %dma_wait3A_36 = tpu.memref_slice %arg4[%add3A_34, %dma_wait3A_35] : memref<160000x128xf32, #tpu.memory_space<hbm>> -> memref<40x128xf32, #tpu.memory_space<hbm>>
    %dma_wait3A_37 = arith.constant 0 : i32
    %dma_wait3A_38 = tpu.memref_slice %arg4[%add3A_34, %dma_wait3A_37] : memref<160000x128xf32, #tpu.memory_space<hbm>> -> memref<40x128xf32, #tpu.memory_space<hbm>>
    tpu.wait_dma2 semaphore(%arg17 : memref<!tpu.dma_semaphore, #tpu.memory_space<semaphore_mem>>) src(%arg9 : memref<40x128xf32, #tpu.memory_space<vmem>>) dst(%dma_wait3A_38 : memref<40x128xf32, #tpu.memory_space<hbm>>)
    %dma_wait3A_39 = arith.constant 4960 : i32
    %dma_wait3A_40 = tpu.memref_slice %arg5[%dma_wait3A_39] : memref<5000xi32, #tpu.memory_space<vmem>> -> memref<40xi32, #tpu.memory_space<vmem>>
    %dma_wait3A_41 = arith.constant 0 : i32
    %dma_wait3A_42 = arith.constant 0 : i32
    %dma_wait3A_43 = tpu.memref_slice %arg2[%dma_wait3A_41, %dma_wait3A_42] : memref<10000x128xf32, #tpu.memory_space<hbm>> -> memref<10000x128xf32, #tpu.memory_space<hbm>>
    tpu.wait_indirect_dma semaphore(%arg10 : memref<!tpu.dma_semaphore, #tpu.memory_space<semaphore_mem>>) src(%dma_wait3A_43 : memref<10000x128xf32, #tpu.memory_space<hbm>>) dst(%arg6 : memref<40x128xf32, #tpu.memory_space<vmem>>)
    %add3A_44 = arith.constant 4960 : i32
    %add3A_45 = arith.addi %mul3A_2, %add3A_44 : i32
    %dma_start3A_46 = arith.constant 0 : i32
    %dma_start3A_47 = tpu.memref_slice %arg4[%add3A_45, %dma_start3A_46] : memref<160000x128xf32, #tpu.memory_space<hbm>> -> memref<40x128xf32, #tpu.memory_space<hbm>>
    %dma_start3A_48 = arith.constant 0 : i32
    %dma_start3A_49 = tpu.memref_slice %arg4[%add3A_45, %dma_start3A_48] : memref<160000x128xf32, #tpu.memory_space<hbm>> -> memref<40x128xf32, #tpu.memory_space<hbm>>
    tpu.enqueue_dma source(%arg6 : memref<40x128xf32, #tpu.memory_space<vmem>>) target(%dma_start3A_49 : memref<40x128xf32, #tpu.memory_space<hbm>>) target_semaphore(%arg14 : memref<!tpu.dma_semaphore, #tpu.memory_space<semaphore_mem>>)
    %add3A_50 = arith.constant 4960 : i32
    %add3A_51 = arith.addi %mul3A_2, %add3A_50 : i32
    %dma_wait3A_52 = arith.constant 0 : i32
    %dma_wait3A_53 = tpu.memref_slice %arg4[%add3A_51, %dma_wait3A_52] : memref<160000x128xf32, #tpu.memory_space<hbm>> -> memref<40x128xf32, #tpu.memory_space<hbm>>
    %dma_wait3A_54 = arith.constant 0 : i32
    %dma_wait3A_55 = tpu.memref_slice %arg4[%add3A_51, %dma_wait3A_54] : memref<160000x128xf32, #tpu.memory_space<hbm>> -> memref<40x128xf32, #tpu.memory_space<hbm>>
    tpu.wait_dma2 semaphore(%arg14 : memref<!tpu.dma_semaphore, #tpu.memory_space<semaphore_mem>>) src(%arg6 : memref<40x128xf32, #tpu.memory_space<vmem>>) dst(%dma_wait3A_55 : memref<40x128xf32, #tpu.memory_space<hbm>>)
    return
  }
}

#map = affine_map<(d0, d1) -> (0, 0)>
#map1 = affine_map<(d0, d1) -> (0)>
module attributes {stable_mosaic.version = 14 : i64} {
  func.func @_sc_body(%arg0: i32, %arg1: i32, %arg2: memref<10000x128xf32, #tpu.memory_space<hbm>>, %arg3: memref<160000xi32, #tpu.memory_space<hbm>>, %arg4: memref<160000x128xf32, #tpu.memory_space<hbm>>, %arg5: memref<5000xi32, #tpu.memory_space<vmem>>, %arg6: memref<40x128xf32, #tpu.memory_space<vmem>>, %arg7: memref<40x128xf32, #tpu.memory_space<vmem>>, %arg8: memref<40x128xf32, #tpu.memory_space<vmem>>, %arg9: memref<40x128xf32, #tpu.memory_space<vmem>>, %arg10: memref<!tpu.dma_semaphore, #tpu.memory_space<semaphore_mem>>, %arg11: memref<!tpu.dma_semaphore, #tpu.memory_space<semaphore_mem>>, %arg12: memref<!tpu.dma_semaphore, #tpu.memory_space<semaphore_mem>>, %arg13: memref<!tpu.dma_semaphore, #tpu.memory_space<semaphore_mem>>, %arg14: memref<!tpu.dma_semaphore, #tpu.memory_space<semaphore_mem>>, %arg15: memref<!tpu.dma_semaphore, #tpu.memory_space<semaphore_mem>>, %arg16: memref<!tpu.dma_semaphore, #tpu.memory_space<semaphore_mem>>, %arg17: memref<!tpu.dma_semaphore, #tpu.memory_space<semaphore_mem>>) attributes {dimension_semantics = [#tpu.dimension_semantics<core_parallel>, #tpu.dimension_semantics<subcore_parallel>], iteration_bounds = array<i64: 2, 16>, scalar_prefetch = 0 : i64, scratch_operands = 13 : i64, tpu.core_type = #tpu.core_type<sc_vector_subcore>, window_params = [{transform_indices = #map}, {transform_indices = #map1}, {transform_indices = #map}]} {
    %mul3A = arith.constant 2 : i32
    %mul3A_0 = arith.muli %arg1, %mul3A : i32
    %add3A = arith.addi %mul3A_0, %arg0 : i32
    %mul3A_1 = arith.constant 5000 : i32
    %mul3A_2 = arith.muli %add3A, %mul3A_1 : i32
    "tpu.region"() ({
      %run_scoped3A = tpu.sem_alloc : memref<!tpu.dma_semaphore, #tpu.memory_space<semaphore_mem>>
      %dma_start3A_56 = tpu.memref_slice %arg3[%mul3A_2] : memref<160000xi32, #tpu.memory_space<hbm>> -> memref<5000xi32, #tpu.memory_space<hbm>>
      %dma_start3A_57 = tpu.memref_slice %arg3[%mul3A_2] : memref<160000xi32, #tpu.memory_space<hbm>> -> memref<5000xi32, #tpu.memory_space<hbm>>
      tpu.enqueue_dma source(%dma_start3A_57 : memref<5000xi32, #tpu.memory_space<hbm>>) target(%arg5 : memref<5000xi32, #tpu.memory_space<vmem>>) target_semaphore(%run_scoped3A : memref<!tpu.dma_semaphore, #tpu.memory_space<semaphore_mem>>)
      %dma_wait3A_58 = tpu.memref_slice %arg3[%mul3A_2] : memref<160000xi32, #tpu.memory_space<hbm>> -> memref<5000xi32, #tpu.memory_space<hbm>>
      %dma_wait3A_59 = tpu.memref_slice %arg3[%mul3A_2] : memref<160000xi32, #tpu.memory_space<hbm>> -> memref<5000xi32, #tpu.memory_space<hbm>>
      tpu.wait_dma2 semaphore(%run_scoped3A : memref<!tpu.dma_semaphore, #tpu.memory_space<semaphore_mem>>) src(%dma_wait3A_59 : memref<5000xi32, #tpu.memory_space<hbm>>) dst(%arg5 : memref<5000xi32, #tpu.memory_space<vmem>>)
      tpu.yield
    }) : () -> ()
    %dma_start3A = arith.constant 0 : i32
    %dma_start3A_3 = tpu.memref_slice %arg5[%dma_start3A] : memref<5000xi32, #tpu.memory_space<vmem>> -> memref<40xi32, #tpu.memory_space<vmem>>
    %dma_start3A_4 = arith.constant 0 : i32
    %dma_start3A_5 = arith.constant 0 : i32
    %dma_start3A_6 = tpu.memref_slice %arg2[%dma_start3A_4, %dma_start3A_5] : memref<10000x128xf32, #tpu.memory_space<hbm>> -> memref<10000x128xf32, #tpu.memory_space<hbm>>
    tpu.enqueue_indirect_dma source(%dma_start3A_6 : memref<10000x128xf32, #tpu.memory_space<hbm>>) target(%arg6 : memref<40x128xf32, #tpu.memory_space<vmem>>) offsets(%dma_start3A_3 : memref<40xi32, #tpu.memory_space<vmem>>) semaphore(%arg10 : memref<!tpu.dma_semaphore, #tpu.memory_space<semaphore_mem>>)
    %dma_start3A_7 = arith.constant 40 : i32
    %dma_start3A_8 = tpu.memref_slice %arg5[%dma_start3A_7] : memref<5000xi32, #tpu.memory_space<vmem>> -> memref<40xi32, #tpu.memory_space<vmem>>
    %dma_start3A_9 = arith.constant 0 : i32
    %dma_start3A_10 = arith.constant 0 : i32
    %dma_start3A_11 = tpu.memref_slice %arg2[%dma_start3A_9, %dma_start3A_10] : memref<10000x128xf32, #tpu.memory_space<hbm>> -> memref<10000x128xf32, #tpu.memory_space<hbm>>
    tpu.enqueue_indirect_dma source(%dma_start3A_11 : memref<10000x128xf32, #tpu.memory_space<hbm>>) target(%arg7 : memref<40x128xf32, #tpu.memory_space<vmem>>) offsets(%dma_start3A_8 : memref<40xi32, #tpu.memory_space<vmem>>) semaphore(%arg11 : memref<!tpu.dma_semaphore, #tpu.memory_space<semaphore_mem>>)
    %dma_start3A_12 = arith.constant 80 : i32
    %dma_start3A_13 = tpu.memref_slice %arg5[%dma_start3A_12] : memref<5000xi32, #tpu.memory_space<vmem>> -> memref<40xi32, #tpu.memory_space<vmem>>
    %dma_start3A_14 = arith.constant 0 : i32
    %dma_start3A_15 = arith.constant 0 : i32
    %dma_start3A_16 = tpu.memref_slice %arg2[%dma_start3A_14, %dma_start3A_15] : memref<10000x128xf32, #tpu.memory_space<hbm>> -> memref<10000x128xf32, #tpu.memory_space<hbm>>
    tpu.enqueue_indirect_dma source(%dma_start3A_16 : memref<10000x128xf32, #tpu.memory_space<hbm>>) target(%arg8 : memref<40x128xf32, #tpu.memory_space<vmem>>) offsets(%dma_start3A_13 : memref<40xi32, #tpu.memory_space<vmem>>) semaphore(%arg12 : memref<!tpu.dma_semaphore, #tpu.memory_space<semaphore_mem>>)
    %dma_start3A_17 = arith.constant 120 : i32
    %dma_start3A_18 = tpu.memref_slice %arg5[%dma_start3A_17] : memref<5000xi32, #tpu.memory_space<vmem>> -> memref<40xi32, #tpu.memory_space<vmem>>
    %dma_start3A_19 = arith.constant 0 : i32
    %dma_start3A_20 = arith.constant 0 : i32
    %dma_start3A_21 = tpu.memref_slice %arg2[%dma_start3A_19, %dma_start3A_20] : memref<10000x128xf32, #tpu.memory_space<hbm>> -> memref<10000x128xf32, #tpu.memory_space<hbm>>
    tpu.enqueue_indirect_dma source(%dma_start3A_21 : memref<10000x128xf32, #tpu.memory_space<hbm>>) target(%arg9 : memref<40x128xf32, #tpu.memory_space<vmem>>) offsets(%dma_start3A_18 : memref<40xi32, #tpu.memory_space<vmem>>) semaphore(%arg13 : memref<!tpu.dma_semaphore, #tpu.memory_space<semaphore_mem>>)
    %scan3A = arith.constant 0 : i32
    %scan3A_22 = arith.constant 0 : i32
    %scan3A_23 = arith.constant 31 : i32
    %scan3A_24 = arith.addi %scan3A_22, %scan3A_23 : i32
    %scan3A_25 = arith.constant 1 : i32
    %scan3A_26 = scf.for %scan3A_56 = %scan3A_22 to %scan3A_24 step %scan3A_25 iter_args(%scan3A_57 = %scan3A) -> (i32)  : i32 {
      %mul3A_58 = arith.constant 4 : i32
      %mul3A_59 = arith.muli %mul3A_58, %scan3A_56 : i32
      %add3A_60 = arith.constant 0 : i32
      %add3A_61 = arith.addi %mul3A_59, %add3A_60 : i32
      %mul3A_62 = arith.constant 40 : i32
      %mul3A_63 = arith.muli %add3A_61, %mul3A_62 : i32
      %dma_wait3A_64 = tpu.memref_slice %arg5[%mul3A_63] : memref<5000xi32, #tpu.memory_space<vmem>> -> memref<40xi32, #tpu.memory_space<vmem>>
      %dma_wait3A_65 = arith.constant 0 : i32
      %dma_wait3A_66 = arith.constant 0 : i32
      %dma_wait3A_67 = tpu.memref_slice %arg2[%dma_wait3A_65, %dma_wait3A_66] : memref<10000x128xf32, #tpu.memory_space<hbm>> -> memref<10000x128xf32, #tpu.memory_space<hbm>>
      tpu.wait_indirect_dma semaphore(%arg10 : memref<!tpu.dma_semaphore, #tpu.memory_space<semaphore_mem>>) src(%dma_wait3A_67 : memref<10000x128xf32, #tpu.memory_space<hbm>>) dst(%arg6 : memref<40x128xf32, #tpu.memory_space<vmem>>)
      %mul3A_68 = arith.constant 40 : i32
      %mul3A_69 = arith.muli %add3A_61, %mul3A_68 : i32
      %add3A_70 = arith.addi %mul3A_2, %mul3A_69 : i32
      %dma_start3A_71 = arith.constant 0 : i32
      %dma_start3A_72 = tpu.memref_slice %arg4[%add3A_70, %dma_start3A_71] : memref<160000x128xf32, #tpu.memory_space<hbm>> -> memref<40x128xf32, #tpu.memory_space<hbm>>
      %dma_start3A_73 = arith.constant 0 : i32
      %dma_start3A_74 = tpu.memref_slice %arg4[%add3A_70, %dma_start3A_73] : memref<160000x128xf32, #tpu.memory_space<hbm>> -> memref<40x128xf32, #tpu.memory_space<hbm>>
      tpu.enqueue_dma source(%arg6 : memref<40x128xf32, #tpu.memory_space<vmem>>) target(%dma_start3A_74 : memref<40x128xf32, #tpu.memory_space<hbm>>) target_semaphore(%arg14 : memref<!tpu.dma_semaphore, #tpu.memory_space<semaphore_mem>>)
      %sub3A = arith.constant 2 : i32
      %sub3A_75 = arith.subi %add3A_61, %sub3A : i32
      %ge3A = arith.constant 0 : i32
      %ge3A_76 = arith.cmpi sge, %sub3A_75, %ge3A : i32
      %convert_element_type3A = arith.extui %ge3A_76 : i1 to i32
      %cond3A = arith.constant 0 : i32
      %cond3A_77 = arith.cmpi ne, %convert_element_type3A, %cond3A : i32
      scf.if %cond3A_77 {
        %mul3A_189 = arith.constant 40 : i32
        %mul3A_190 = arith.muli %sub3A_75, %mul3A_189 : i32
        %add3A_191 = arith.addi %mul3A_2, %mul3A_190 : i32
        %dma_wait3A_192 = arith.constant 0 : i32
        %dma_wait3A_193 = tpu.memref_slice %arg4[%add3A_191, %dma_wait3A_192] : memref<160000x128xf32, #tpu.memory_space<hbm>> -> memref<40x128xf32, #tpu.memory_space<hbm>>
        %dma_wait3A_194 = arith.constant 0 : i32
        %dma_wait3A_195 = tpu.memref_slice %arg4[%add3A_191, %dma_wait3A_194] : memref<160000x128xf32, #tpu.memory_space<hbm>> -> memref<40x128xf32, #tpu.memory_space<hbm>>
        tpu.wait_dma2 semaphore(%arg16 : memref<!tpu.dma_semaphore, #tpu.memory_space<semaphore_mem>>) src(%arg8 : memref<40x128xf32, #tpu.memory_space<vmem>>) dst(%dma_wait3A_195 : memref<40x128xf32, #tpu.memory_space<hbm>>)
      } else {
      }
      %ge3A_78 = arith.constant 0 : i32
      %ge3A_79 = arith.cmpi sge, %sub3A_75, %ge3A_78 : i32
      %add3A_80 = arith.constant 4 : i32
      %add3A_81 = arith.addi %sub3A_75, %add3A_80 : i32
      %le3A = arith.constant 124 : i32
      %le3A_82 = arith.cmpi sle, %add3A_81, %le3A : i32
      %and3A = arith.andi %ge3A_79, %le3A_82 : i1
      %convert_element_type3A_83 = arith.extui %and3A : i1 to i32
      %cond3A_84 = arith.constant 0 : i32
      %cond3A_85 = arith.cmpi ne, %convert_element_type3A_83, %cond3A_84 : i32
      scf.if %cond3A_85 {
        %add3A_189 = arith.constant 4 : i32
        %add3A_190 = arith.addi %sub3A_75, %add3A_189 : i32
        %mul3A_191 = arith.constant 40 : i32
        %mul3A_192 = arith.muli %add3A_190, %mul3A_191 : i32
        %dma_start3A_193 = tpu.memref_slice %arg5[%mul3A_192] : memref<5000xi32, #tpu.memory_space<vmem>> -> memref<40xi32, #tpu.memory_space<vmem>>
        %dma_start3A_194 = arith.constant 0 : i32
        %dma_start3A_195 = arith.constant 0 : i32
        %dma_start3A_196 = tpu.memref_slice %arg2[%dma_start3A_194, %dma_start3A_195] : memref<10000x128xf32, #tpu.memory_space<hbm>> -> memref<10000x128xf32, #tpu.memory_space<hbm>>
        tpu.enqueue_indirect_dma source(%dma_start3A_196 : memref<10000x128xf32, #tpu.memory_space<hbm>>) target(%arg8 : memref<40x128xf32, #tpu.memory_space<vmem>>) offsets(%dma_start3A_193 : memref<40xi32, #tpu.memory_space<vmem>>) semaphore(%arg12 : memref<!tpu.dma_semaphore, #tpu.memory_space<semaphore_mem>>)
      } else {
      }
      %mul3A_86 = arith.constant 4 : i32
      %mul3A_87 = arith.muli %mul3A_86, %scan3A_56 : i32
      %add3A_88 = arith.constant 1 : i32
      %add3A_89 = arith.addi %mul3A_87, %add3A_88 : i32
      %mul3A_90 = arith.constant 40 : i32
      %mul3A_91 = arith.muli %add3A_89, %mul3A_90 : i32
      %dma_wait3A_92 = tpu.memref_slice %arg5[%mul3A_91] : memref<5000xi32, #tpu.memory_space<vmem>> -> memref<40xi32, #tpu.memory_space<vmem>>
      %dma_wait3A_93 = arith.constant 0 : i32
      %dma_wait3A_94 = arith.constant 0 : i32
      %dma_wait3A_95 = tpu.memref_slice %arg2[%dma_wait3A_93, %dma_wait3A_94] : memref<10000x128xf32, #tpu.memory_space<hbm>> -> memref<10000x128xf32, #tpu.memory_space<hbm>>
      tpu.wait_indirect_dma semaphore(%arg11 : memref<!tpu.dma_semaphore, #tpu.memory_space<semaphore_mem>>) src(%dma_wait3A_95 : memref<10000x128xf32, #tpu.memory_space<hbm>>) dst(%arg7 : memref<40x128xf32, #tpu.memory_space<vmem>>)
      %mul3A_96 = arith.constant 40 : i32
      %mul3A_97 = arith.muli %add3A_89, %mul3A_96 : i32
      %add3A_98 = arith.addi %mul3A_2, %mul3A_97 : i32
      %dma_start3A_99 = arith.constant 0 : i32
      %dma_start3A_100 = tpu.memref_slice %arg4[%add3A_98, %dma_start3A_99] : memref<160000x128xf32, #tpu.memory_space<hbm>> -> memref<40x128xf32, #tpu.memory_space<hbm>>
      %dma_start3A_101 = arith.constant 0 : i32
      %dma_start3A_102 = tpu.memref_slice %arg4[%add3A_98, %dma_start3A_101] : memref<160000x128xf32, #tpu.memory_space<hbm>> -> memref<40x128xf32, #tpu.memory_space<hbm>>
      tpu.enqueue_dma source(%arg7 : memref<40x128xf32, #tpu.memory_space<vmem>>) target(%dma_start3A_102 : memref<40x128xf32, #tpu.memory_space<hbm>>) target_semaphore(%arg15 : memref<!tpu.dma_semaphore, #tpu.memory_space<semaphore_mem>>)
      %sub3A_103 = arith.constant 2 : i32
      %sub3A_104 = arith.subi %add3A_89, %sub3A_103 : i32
      %ge3A_105 = arith.constant 0 : i32
      %ge3A_106 = arith.cmpi sge, %sub3A_104, %ge3A_105 : i32
      %convert_element_type3A_107 = arith.extui %ge3A_106 : i1 to i32
      %cond3A_108 = arith.constant 0 : i32
      %cond3A_109 = arith.cmpi ne, %convert_element_type3A_107, %cond3A_108 : i32
      scf.if %cond3A_109 {
        %mul3A_189 = arith.constant 40 : i32
        %mul3A_190 = arith.muli %sub3A_104, %mul3A_189 : i32
        %add3A_191 = arith.addi %mul3A_2, %mul3A_190 : i32
        %dma_wait3A_192 = arith.constant 0 : i32
        %dma_wait3A_193 = tpu.memref_slice %arg4[%add3A_191, %dma_wait3A_192] : memref<160000x128xf32, #tpu.memory_space<hbm>> -> memref<40x128xf32, #tpu.memory_space<hbm>>
        %dma_wait3A_194 = arith.constant 0 : i32
        %dma_wait3A_195 = tpu.memref_slice %arg4[%add3A_191, %dma_wait3A_194] : memref<160000x128xf32, #tpu.memory_space<hbm>> -> memref<40x128xf32, #tpu.memory_space<hbm>>
        tpu.wait_dma2 semaphore(%arg17 : memref<!tpu.dma_semaphore, #tpu.memory_space<semaphore_mem>>) src(%arg9 : memref<40x128xf32, #tpu.memory_space<vmem>>) dst(%dma_wait3A_195 : memref<40x128xf32, #tpu.memory_space<hbm>>)
      } else {
      }
      %ge3A_110 = arith.constant 0 : i32
      %ge3A_111 = arith.cmpi sge, %sub3A_104, %ge3A_110 : i32
      %add3A_112 = arith.constant 4 : i32
      %add3A_113 = arith.addi %sub3A_104, %add3A_112 : i32
      %le3A_114 = arith.constant 124 : i32
      %le3A_115 = arith.cmpi sle, %add3A_113, %le3A_114 : i32
      %and3A_116 = arith.andi %ge3A_111, %le3A_115 : i1
      %convert_element_type3A_117 = arith.extui %and3A_116 : i1 to i32
      %cond3A_118 = arith.constant 0 : i32
      %cond3A_119 = arith.cmpi ne, %convert_element_type3A_117, %cond3A_118 : i32
      scf.if %cond3A_119 {
        %add3A_189 = arith.constant 4 : i32
        %add3A_190 = arith.addi %sub3A_104, %add3A_189 : i32
        %mul3A_191 = arith.constant 40 : i32
        %mul3A_192 = arith.muli %add3A_190, %mul3A_191 : i32
        %dma_start3A_193 = tpu.memref_slice %arg5[%mul3A_192] : memref<5000xi32, #tpu.memory_space<vmem>> -> memref<40xi32, #tpu.memory_space<vmem>>
        %dma_start3A_194 = arith.constant 0 : i32
        %dma_start3A_195 = arith.constant 0 : i32
        %dma_start3A_196 = tpu.memref_slice %arg2[%dma_start3A_194, %dma_start3A_195] : memref<10000x128xf32, #tpu.memory_space<hbm>> -> memref<10000x128xf32, #tpu.memory_space<hbm>>
        tpu.enqueue_indirect_dma source(%dma_start3A_196 : memref<10000x128xf32, #tpu.memory_space<hbm>>) target(%arg9 : memref<40x128xf32, #tpu.memory_space<vmem>>) offsets(%dma_start3A_193 : memref<40xi32, #tpu.memory_space<vmem>>) semaphore(%arg13 : memref<!tpu.dma_semaphore, #tpu.memory_space<semaphore_mem>>)
      } else {
      }
      %mul3A_120 = arith.constant 4 : i32
      %mul3A_121 = arith.muli %mul3A_120, %scan3A_56 : i32
      %add3A_122 = arith.constant 2 : i32
      %add3A_123 = arith.addi %mul3A_121, %add3A_122 : i32
      %mul3A_124 = arith.constant 40 : i32
      %mul3A_125 = arith.muli %add3A_123, %mul3A_124 : i32
      %dma_wait3A_126 = tpu.memref_slice %arg5[%mul3A_125] : memref<5000xi32, #tpu.memory_space<vmem>> -> memref<40xi32, #tpu.memory_space<vmem>>
      %dma_wait3A_127 = arith.constant 0 : i32
      %dma_wait3A_128 = arith.constant 0 : i32
      %dma_wait3A_129 = tpu.memref_slice %arg2[%dma_wait3A_127, %dma_wait3A_128] : memref<10000x128xf32, #tpu.memory_space<hbm>> -> memref<10000x128xf32, #tpu.memory_space<hbm>>
      tpu.wait_indirect_dma semaphore(%arg12 : memref<!tpu.dma_semaphore, #tpu.memory_space<semaphore_mem>>) src(%dma_wait3A_129 : memref<10000x128xf32, #tpu.memory_space<hbm>>) dst(%arg8 : memref<40x128xf32, #tpu.memory_space<vmem>>)
      %mul3A_130 = arith.constant 40 : i32
      %mul3A_131 = arith.muli %add3A_123, %mul3A_130 : i32
      %add3A_132 = arith.addi %mul3A_2, %mul3A_131 : i32
      %dma_start3A_133 = arith.constant 0 : i32
      %dma_start3A_134 = tpu.memref_slice %arg4[%add3A_132, %dma_start3A_133] : memref<160000x128xf32, #tpu.memory_space<hbm>> -> memref<40x128xf32, #tpu.memory_space<hbm>>
      %dma_start3A_135 = arith.constant 0 : i32
      %dma_start3A_136 = tpu.memref_slice %arg4[%add3A_132, %dma_start3A_135] : memref<160000x128xf32, #tpu.memory_space<hbm>> -> memref<40x128xf32, #tpu.memory_space<hbm>>
      tpu.enqueue_dma source(%arg8 : memref<40x128xf32, #tpu.memory_space<vmem>>) target(%dma_start3A_136 : memref<40x128xf32, #tpu.memory_space<hbm>>) target_semaphore(%arg16 : memref<!tpu.dma_semaphore, #tpu.memory_space<semaphore_mem>>)
      %sub3A_137 = arith.constant 2 : i32
      %sub3A_138 = arith.subi %add3A_123, %sub3A_137 : i32
      %ge3A_139 = arith.constant 0 : i32
      %ge3A_140 = arith.cmpi sge, %sub3A_138, %ge3A_139 : i32
      %convert_element_type3A_141 = arith.extui %ge3A_140 : i1 to i32
      %cond3A_142 = arith.constant 0 : i32
      %cond3A_143 = arith.cmpi ne, %convert_element_type3A_141, %cond3A_142 : i32
      scf.if %cond3A_143 {
        %mul3A_189 = arith.constant 40 : i32
        %mul3A_190 = arith.muli %sub3A_138, %mul3A_189 : i32
        %add3A_191 = arith.addi %mul3A_2, %mul3A_190 : i32
        %dma_wait3A_192 = arith.constant 0 : i32
        %dma_wait3A_193 = tpu.memref_slice %arg4[%add3A_191, %dma_wait3A_192] : memref<160000x128xf32, #tpu.memory_space<hbm>> -> memref<40x128xf32, #tpu.memory_space<hbm>>
        %dma_wait3A_194 = arith.constant 0 : i32
        %dma_wait3A_195 = tpu.memref_slice %arg4[%add3A_191, %dma_wait3A_194] : memref<160000x128xf32, #tpu.memory_space<hbm>> -> memref<40x128xf32, #tpu.memory_space<hbm>>
        tpu.wait_dma2 semaphore(%arg14 : memref<!tpu.dma_semaphore, #tpu.memory_space<semaphore_mem>>) src(%arg6 : memref<40x128xf32, #tpu.memory_space<vmem>>) dst(%dma_wait3A_195 : memref<40x128xf32, #tpu.memory_space<hbm>>)
      } else {
      }
      %ge3A_144 = arith.constant 0 : i32
      %ge3A_145 = arith.cmpi sge, %sub3A_138, %ge3A_144 : i32
      %add3A_146 = arith.constant 4 : i32
      %add3A_147 = arith.addi %sub3A_138, %add3A_146 : i32
      %le3A_148 = arith.constant 124 : i32
      %le3A_149 = arith.cmpi sle, %add3A_147, %le3A_148 : i32
      %and3A_150 = arith.andi %ge3A_145, %le3A_149 : i1
      %convert_element_type3A_151 = arith.extui %and3A_150 : i1 to i32
      %cond3A_152 = arith.constant 0 : i32
      %cond3A_153 = arith.cmpi ne, %convert_element_type3A_151, %cond3A_152 : i32
      scf.if %cond3A_153 {
        %add3A_189 = arith.constant 4 : i32
        %add3A_190 = arith.addi %sub3A_138, %add3A_189 : i32
        %mul3A_191 = arith.constant 40 : i32
        %mul3A_192 = arith.muli %add3A_190, %mul3A_191 : i32
        %dma_start3A_193 = tpu.memref_slice %arg5[%mul3A_192] : memref<5000xi32, #tpu.memory_space<vmem>> -> memref<40xi32, #tpu.memory_space<vmem>>
        %dma_start3A_194 = arith.constant 0 : i32
        %dma_start3A_195 = arith.constant 0 : i32
        %dma_start3A_196 = tpu.memref_slice %arg2[%dma_start3A_194, %dma_start3A_195] : memref<10000x128xf32, #tpu.memory_space<hbm>> -> memref<10000x128xf32, #tpu.memory_space<hbm>>
        tpu.enqueue_indirect_dma source(%dma_start3A_196 : memref<10000x128xf32, #tpu.memory_space<hbm>>) target(%arg6 : memref<40x128xf32, #tpu.memory_space<vmem>>) offsets(%dma_start3A_193 : memref<40xi32, #tpu.memory_space<vmem>>) semaphore(%arg10 : memref<!tpu.dma_semaphore, #tpu.memory_space<semaphore_mem>>)
      } else {
      }
      %mul3A_154 = arith.constant 4 : i32
      %mul3A_155 = arith.muli %mul3A_154, %scan3A_56 : i32
      %add3A_156 = arith.constant 3 : i32
      %add3A_157 = arith.addi %mul3A_155, %add3A_156 : i32
      %mul3A_158 = arith.constant 40 : i32
      %mul3A_159 = arith.muli %add3A_157, %mul3A_158 : i32
      %dma_wait3A_160 = tpu.memref_slice %arg5[%mul3A_159] : memref<5000xi32, #tpu.memory_space<vmem>> -> memref<40xi32, #tpu.memory_space<vmem>>
      %dma_wait3A_161 = arith.constant 0 : i32
      %dma_wait3A_162 = arith.constant 0 : i32
      %dma_wait3A_163 = tpu.memref_slice %arg2[%dma_wait3A_161, %dma_wait3A_162] : memref<10000x128xf32, #tpu.memory_space<hbm>> -> memref<10000x128xf32, #tpu.memory_space<hbm>>
      tpu.wait_indirect_dma semaphore(%arg13 : memref<!tpu.dma_semaphore, #tpu.memory_space<semaphore_mem>>) src(%dma_wait3A_163 : memref<10000x128xf32, #tpu.memory_space<hbm>>) dst(%arg9 : memref<40x128xf32, #tpu.memory_space<vmem>>)
      %mul3A_164 = arith.constant 40 : i32
      %mul3A_165 = arith.muli %add3A_157, %mul3A_164 : i32
      %add3A_166 = arith.addi %mul3A_2, %mul3A_165 : i32
      %dma_start3A_167 = arith.constant 0 : i32
      %dma_start3A_168 = tpu.memref_slice %arg4[%add3A_166, %dma_start3A_167] : memref<160000x128xf32, #tpu.memory_space<hbm>> -> memref<40x128xf32, #tpu.memory_space<hbm>>
      %dma_start3A_169 = arith.constant 0 : i32
      %dma_start3A_170 = tpu.memref_slice %arg4[%add3A_166, %dma_start3A_169] : memref<160000x128xf32, #tpu.memory_space<hbm>> -> memref<40x128xf32, #tpu.memory_space<hbm>>
      tpu.enqueue_dma source(%arg9 : memref<40x128xf32, #tpu.memory_space<vmem>>) target(%dma_start3A_170 : memref<40x128xf32, #tpu.memory_space<hbm>>) target_semaphore(%arg17 : memref<!tpu.dma_semaphore, #tpu.memory_space<semaphore_mem>>)
      %sub3A_171 = arith.constant 2 : i32
      %sub3A_172 = arith.subi %add3A_157, %sub3A_171 : i32
      %ge3A_173 = arith.constant 0 : i32
      %ge3A_174 = arith.cmpi sge, %sub3A_172, %ge3A_173 : i32
      %convert_element_type3A_175 = arith.extui %ge3A_174 : i1 to i32
      %cond3A_176 = arith.constant 0 : i32
      %cond3A_177 = arith.cmpi ne, %convert_element_type3A_175, %cond3A_176 : i32
      scf.if %cond3A_177 {
        %mul3A_189 = arith.constant 40 : i32
        %mul3A_190 = arith.muli %sub3A_172, %mul3A_189 : i32
        %add3A_191 = arith.addi %mul3A_2, %mul3A_190 : i32
        %dma_wait3A_192 = arith.constant 0 : i32
        %dma_wait3A_193 = tpu.memref_slice %arg4[%add3A_191, %dma_wait3A_192] : memref<160000x128xf32, #tpu.memory_space<hbm>> -> memref<40x128xf32, #tpu.memory_space<hbm>>
        %dma_wait3A_194 = arith.constant 0 : i32
        %dma_wait3A_195 = tpu.memref_slice %arg4[%add3A_191, %dma_wait3A_194] : memref<160000x128xf32, #tpu.memory_space<hbm>> -> memref<40x128xf32, #tpu.memory_space<hbm>>
        tpu.wait_dma2 semaphore(%arg15 : memref<!tpu.dma_semaphore, #tpu.memory_space<semaphore_mem>>) src(%arg7 : memref<40x128xf32, #tpu.memory_space<vmem>>) dst(%dma_wait3A_195 : memref<40x128xf32, #tpu.memory_space<hbm>>)
      } else {
      }
      %ge3A_178 = arith.constant 0 : i32
      %ge3A_179 = arith.cmpi sge, %sub3A_172, %ge3A_178 : i32
      %add3A_180 = arith.constant 4 : i32
      %add3A_181 = arith.addi %sub3A_172, %add3A_180 : i32
      %le3A_182 = arith.constant 124 : i32
      %le3A_183 = arith.cmpi sle, %add3A_181, %le3A_182 : i32
      %and3A_184 = arith.andi %ge3A_179, %le3A_183 : i1
      %convert_element_type3A_185 = arith.extui %and3A_184 : i1 to i32
      %cond3A_186 = arith.constant 0 : i32
      %cond3A_187 = arith.cmpi ne, %convert_element_type3A_185, %cond3A_186 : i32
      scf.if %cond3A_187 {
        %add3A_189 = arith.constant 4 : i32
        %add3A_190 = arith.addi %sub3A_172, %add3A_189 : i32
        %mul3A_191 = arith.constant 40 : i32
        %mul3A_192 = arith.muli %add3A_190, %mul3A_191 : i32
        %dma_start3A_193 = tpu.memref_slice %arg5[%mul3A_192] : memref<5000xi32, #tpu.memory_space<vmem>> -> memref<40xi32, #tpu.memory_space<vmem>>
        %dma_start3A_194 = arith.constant 0 : i32
        %dma_start3A_195 = arith.constant 0 : i32
        %dma_start3A_196 = tpu.memref_slice %arg2[%dma_start3A_194, %dma_start3A_195] : memref<10000x128xf32, #tpu.memory_space<hbm>> -> memref<10000x128xf32, #tpu.memory_space<hbm>>
        tpu.enqueue_indirect_dma source(%dma_start3A_196 : memref<10000x128xf32, #tpu.memory_space<hbm>>) target(%arg7 : memref<40x128xf32, #tpu.memory_space<vmem>>) offsets(%dma_start3A_193 : memref<40xi32, #tpu.memory_space<vmem>>) semaphore(%arg11 : memref<!tpu.dma_semaphore, #tpu.memory_space<semaphore_mem>>)
      } else {
      }
      %scan3A_188 = arith.constant 0 : i32
      scf.yield %scan3A_188 : i32
    }
    %scan3A_27 = arith.constant 31 : i32
    %add3A_28 = arith.constant 4880 : i32
    %add3A_29 = arith.addi %mul3A_2, %add3A_28 : i32
    %dma_wait3A = arith.constant 0 : i32
    %dma_wait3A_30 = tpu.memref_slice %arg4[%add3A_29, %dma_wait3A] : memref<160000x128xf32, #tpu.memory_space<hbm>> -> memref<40x128xf32, #tpu.memory_space<hbm>>
    %dma_wait3A_31 = arith.constant 0 : i32
    %dma_wait3A_32 = tpu.memref_slice %arg4[%add3A_29, %dma_wait3A_31] : memref<160000x128xf32, #tpu.memory_space<hbm>> -> memref<40x128xf32, #tpu.memory_space<hbm>>
    tpu.wait_dma2 semaphore(%arg16 : memref<!tpu.dma_semaphore, #tpu.memory_space<semaphore_mem>>) src(%arg8 : memref<40x128xf32, #tpu.memory_space<vmem>>) dst(%dma_wait3A_32 : memref<40x128xf32, #tpu.memory_space<hbm>>)
    %add3A_33 = arith.constant 4920 : i32
    %add3A_34 = arith.addi %mul3A_2, %add3A_33 : i32
    %dma_wait3A_35 = arith.constant 0 : i32
    %dma_wait3A_36 = tpu.memref_slice %arg4[%add3A_34, %dma_wait3A_35] : memref<160000x128xf32, #tpu.memory_space<hbm>> -> memref<40x128xf32, #tpu.memory_space<hbm>>
    %dma_wait3A_37 = arith.constant 0 : i32
    %dma_wait3A_38 = tpu.memref_slice %arg4[%add3A_34, %dma_wait3A_37] : memref<160000x128xf32, #tpu.memory_space<hbm>> -> memref<40x128xf32, #tpu.memory_space<hbm>>
    tpu.wait_dma2 semaphore(%arg17 : memref<!tpu.dma_semaphore, #tpu.memory_space<semaphore_mem>>) src(%arg9 : memref<40x128xf32, #tpu.memory_space<vmem>>) dst(%dma_wait3A_38 : memref<40x128xf32, #tpu.memory_space<hbm>>)
    %dma_wait3A_39 = arith.constant 4960 : i32
    %dma_wait3A_40 = tpu.memref_slice %arg5[%dma_wait3A_39] : memref<5000xi32, #tpu.memory_space<vmem>> -> memref<40xi32, #tpu.memory_space<vmem>>
    %dma_wait3A_41 = arith.constant 0 : i32
    %dma_wait3A_42 = arith.constant 0 : i32
    %dma_wait3A_43 = tpu.memref_slice %arg2[%dma_wait3A_41, %dma_wait3A_42] : memref<10000x128xf32, #tpu.memory_space<hbm>> -> memref<10000x128xf32, #tpu.memory_space<hbm>>
    tpu.wait_indirect_dma semaphore(%arg10 : memref<!tpu.dma_semaphore, #tpu.memory_space<semaphore_mem>>) src(%dma_wait3A_43 : memref<10000x128xf32, #tpu.memory_space<hbm>>) dst(%arg6 : memref<40x128xf32, #tpu.memory_space<vmem>>)
    %add3A_44 = arith.constant 4960 : i32
    %add3A_45 = arith.addi %mul3A_2, %add3A_44 : i32
    %dma_start3A_46 = arith.constant 0 : i32
    %dma_start3A_47 = tpu.memref_slice %arg4[%add3A_45, %dma_start3A_46] : memref<160000x128xf32, #tpu.memory_space<hbm>> -> memref<40x128xf32, #tpu.memory_space<hbm>>
    %dma_start3A_48 = arith.constant 0 : i32
    %dma_start3A_49 = tpu.memref_slice %arg4[%add3A_45, %dma_start3A_48] : memref<160000x128xf32, #tpu.memory_space<hbm>> -> memref<40x128xf32, #tpu.memory_space<hbm>>
    tpu.enqueue_dma source(%arg6 : memref<40x128xf32, #tpu.memory_space<vmem>>) target(%dma_start3A_49 : memref<40x128xf32, #tpu.memory_space<hbm>>) target_semaphore(%arg14 : memref<!tpu.dma_semaphore, #tpu.memory_space<semaphore_mem>>)
    %add3A_50 = arith.constant 4960 : i32
    %add3A_51 = arith.addi %mul3A_2, %add3A_50 : i32
    %dma_wait3A_52 = arith.constant 0 : i32
    %dma_wait3A_53 = tpu.memref_slice %arg4[%add3A_51, %dma_wait3A_52] : memref<160000x128xf32, #tpu.memory_space<hbm>> -> memref<40x128xf32, #tpu.memory_space<hbm>>
    %dma_wait3A_54 = arith.constant 0 : i32
    %dma_wait3A_55 = tpu.memref_slice %arg4[%add3A_51, %dma_wait3A_54] : memref<160000x128xf32, #tpu.memory_space<hbm>> -> memref<40x128xf32, #tpu.memory_space<hbm>>
    tpu.wait_dma2 semaphore(%arg14 : memref<!tpu.dma_semaphore, #tpu.memory_space<semaphore_mem>>) src(%arg6 : memref<40x128xf32, #tpu.memory_space<vmem>>) dst(%dma_wait3A_55 : memref<40x128xf32, #tpu.memory_space<hbm>>)
    return
  }
}

module attributes {stable_mosaic.version = 14 : i64} {
  func.func @_proj_body(%arg0: i32, %arg1: memref<1000x128xf32, #tpu.memory_space<vmem>>, %arg2: memref<128x128xf32, #tpu.memory_space<vmem>>, %arg3: memref<128x128xf32, #tpu.memory_space<vmem>>, %arg4: memref<1000x128xf32, #tpu.memory_space<vmem>>, %arg5: memref<1000x128xf32, #tpu.memory_space<vmem>>) attributes {dimension_semantics = [#tpu.dimension_semantics<arbitrary>], iteration_bounds = array<i64: 10>, scalar_prefetch = 0 : i64, scratch_operands = 0 : i64, tpu.core_type = #tpu.core_type<tc>, window_params = [{transform_indices = @transform_0, window_bounds = array<i64: 1000, 128>}, {pipeline_mode = #tpu.pipeline_mode<synchronous>, transform_indices = @transform_1, window_bounds = array<i64: 128, 128>}, {pipeline_mode = #tpu.pipeline_mode<synchronous>, transform_indices = @transform_2, window_bounds = array<i64: 128, 128>}, {transform_indices = @transform_3, window_bounds = array<i64: 1000, 128>}, {transform_indices = @transform_4, window_bounds = array<i64: 1000, 128>}]} {
    %get3A = arith.constant 0 : index
    %get3A_0 = arith.constant 0 : index
    %get3A_1 = vector.load %arg1[%get3A, %get3A_0] : memref<1000x128xf32, #tpu.memory_space<vmem>>, vector<1000x128xf32>
    %get3A_2 = arith.constant 0 : index
    %get3A_3 = arith.constant 0 : index
    %get3A_4 = vector.load %arg2[%get3A_2, %get3A_3] : memref<128x128xf32, #tpu.memory_space<vmem>>, vector<128x128xf32>
    %dot_general3A = arith.constant dense<0.000000e+00> : vector<1000x128xf32>
    %dot_general3A_5 = tpu.matmul %get3A_1, %get3A_4, %dot_general3A {dimension_numbers = #tpu.dot_dimension_numbers<[1], [0], [0], [1], [0, 0, 1, 1], [], []>, transpose_lhs_hint = false} : vector<1000x128xf32>, vector<128x128xf32>, vector<1000x128xf32> -> vector<1000x128xf32>
    %swap3A = arith.constant 0 : index
    %swap3A_6 = arith.constant 0 : index
    %swap3A_7 = vector.load %arg4[%swap3A, %swap3A_6] : memref<1000x128xf32, #tpu.memory_space<vmem>>, vector<1000x128xf32>
    tpu.vector_store %arg4[%swap3A, %swap3A_6], %dot_general3A_5 {strides = array<i32>} : memref<1000x128xf32, #tpu.memory_space<vmem>>, vector<1000x128xf32>,
    %get3A_8 = arith.constant 0 : index
    %get3A_9 = arith.constant 0 : index
    %get3A_10 = vector.load %arg3[%get3A_8, %get3A_9] : memref<128x128xf32, #tpu.memory_space<vmem>>, vector<128x128xf32>
    %dot_general3A_11 = arith.constant dense<0.000000e+00> : vector<1000x128xf32>
    %dot_general3A_12 = tpu.matmul %get3A_1, %get3A_10, %dot_general3A_11 {dimension_numbers = #tpu.dot_dimension_numbers<[1], [0], [0], [1], [0, 0, 1, 1], [], []>, transpose_lhs_hint = false} : vector<1000x128xf32>, vector<128x128xf32>, vector<1000x128xf32> -> vector<1000x128xf32>
    %swap3A_13 = arith.constant 0 : index
    %swap3A_14 = arith.constant 0 : index
    %swap3A_15 = vector.load %arg5[%swap3A_13, %swap3A_14] : memref<1000x128xf32, #tpu.memory_space<vmem>>, vector<1000x128xf32>
    tpu.vector_store %arg5[%swap3A_13, %swap3A_14], %dot_general3A_12 {strides = array<i32>} : memref<1000x128xf32, #tpu.memory_space<vmem>>, vector<1000x128xf32>,
    return
  }
  func.func @transform_0(%arg0: i32) -> (i32, i32) {
    %c0_i32 = arith.constant 0 : i32
    %c0_i32_0 = arith.constant 0 : i32
    return %arg0, %c0_i32 : i32, i32
  }
  func.func @transform_1(%arg0: i32) -> (i32, i32) {
    %c0_i32 = arith.constant 0 : i32
    %c0_i32_0 = arith.constant 0 : i32
    %c0_i32_1 = arith.constant 0 : i32
    return %c0_i32, %c0_i32_0 : i32, i32
  }
  func.func @transform_2(%arg0: i32) -> (i32, i32) {
    %c0_i32 = arith.constant 0 : i32
    %c0_i32_0 = arith.constant 0 : i32
    %c0_i32_1 = arith.constant 0 : i32
    return %c0_i32, %c0_i32_0 : i32, i32
  }
  func.func @transform_3(%arg0: i32) -> (i32, i32) {
    %c0_i32 = arith.constant 0 : i32
    %c0_i32_0 = arith.constant 0 : i32
    return %arg0, %c0_i32 : i32, i32
  }
  func.func @transform_4(%arg0: i32) -> (i32, i32) {
    %c0_i32 = arith.constant 0 : i32
    %c0_i32_0 = arith.constant 0 : i32
    return %arg0, %c0_i32 : i32, i32
  }
}

module attributes {stable_mosaic.version = 14 : i64} {
  func.func @_edge_agg_body(%arg0: i32, %arg1: memref<16x1280xf32, #tpu.memory_space<vmem>>, %arg2: memref<16x128xf32, #tpu.memory_space<vmem>>, %arg3: memref<1x128xf32, #tpu.memory_space<vmem>>, %arg4: memref<1280x128xf32, #tpu.memory_space<vmem>>, %arg5: memref<1x1x1280xi32, #tpu.memory_space<vmem>>, %arg6: memref<10000x128xf32, #tpu.memory_space<vmem>>, %arg7: memref<1280x128xf32, #tpu.memory_space<vmem>>, %arg8: memref<10000x128xf32, #tpu.memory_space<vmem>>) attributes {dimension_semantics = [#tpu.dimension_semantics<arbitrary>], iteration_bounds = array<i64: 125>, scalar_prefetch = 0 : i64, scratch_operands = 0 : i64, tpu.core_type = #tpu.core_type<tc>, window_params = [{transform_indices = @transform_0, window_bounds = array<i64: 16, 1280>}, {pipeline_mode = #tpu.pipeline_mode<synchronous>, transform_indices = @transform_1, window_bounds = array<i64: 16, 128>}, {pipeline_mode = #tpu.pipeline_mode<synchronous>, transform_indices = @transform_2, window_bounds = array<i64: 1, 128>}, {transform_indices = @transform_3, window_bounds = array<i64: 1280, 128>}, {transform_indices = @transform_4, window_bounds = array<i64: 1, 1, 1280>}, {pipeline_mode = #tpu.pipeline_mode<synchronous>, transform_indices = @transform_5, window_bounds = array<i64: 10000, 128>}, {transform_indices = @transform_6, window_bounds = array<i64: 1280, 128>}, {pipeline_mode = #tpu.pipeline_mode<synchronous>, transform_indices = @transform_7, window_bounds = array<i64: 10000, 128>}]} {
    %eq3A = arith.constant 0 : i32
    %eq3A_0 = arith.cmpi eq, %arg0, %eq3A : i32
    %convert_element_type3A = arith.extui %eq3A_0 : i1 to i32
    %cond3A = arith.constant 0 : i32
    %cond3A_1 = arith.cmpi ne, %convert_element_type3A, %cond3A : i32
    scf.if %cond3A_1 {
      %broadcast_in_dim3A_95 = arith.constant 0.000000e+00 : f32
      %broadcast_in_dim3A_96 = vector.broadcast %broadcast_in_dim3A_95 : f32 to vector<10000x128xf32>
      %swap3A_97 = arith.constant 0 : index
      %swap3A_98 = arith.constant 0 : index
      %swap3A_99 = vector.load %arg8[%swap3A_97, %swap3A_98] : memref<10000x128xf32, #tpu.memory_space<vmem>>, vector<10000x128xf32>
      tpu.vector_store %arg8[%swap3A_97, %swap3A_98], %broadcast_in_dim3A_96 {strides = array<i32>} : memref<10000x128xf32, #tpu.memory_space<vmem>>, vector<10000x128xf32>,
    } else {
    }
    %get3A = arith.constant 0 : index
    %get3A_2 = arith.constant 0 : index
    %get3A_3 = vector.load %arg1[%get3A, %get3A_2] : memref<16x1280xf32, #tpu.memory_space<vmem>>, vector<16x1280xf32>
    %get3A_4 = arith.constant 0 : index
    %get3A_5 = arith.constant 0 : index
    %get3A_6 = vector.load %arg2[%get3A_4, %get3A_5] : memref<16x128xf32, #tpu.memory_space<vmem>>, vector<16x128xf32>
    %dot_general3A = arith.constant dense<0.000000e+00> : vector<1280x128xf32>
    %dot_general3A_7 = tpu.matmul %get3A_3, %get3A_6, %dot_general3A {dimension_numbers = #tpu.dot_dimension_numbers<[0], [0], [1], [1], [0, 1, 1, 1], [], []>, transpose_lhs_hint = false} : vector<16x1280xf32>, vector<16x128xf32>, vector<1280x128xf32> -> vector<1280x128xf32>
    %get3A_8 = arith.constant 0 : index
    %get3A_9 = arith.constant 0 : index
    %get3A_10 = vector.load %arg3[%get3A_8, %get3A_9] : memref<1x128xf32, #tpu.memory_space<vmem>>, vector<1x128xf32>
    %add3A = vector.broadcast %get3A_10 : vector<1x128xf32> to vector<1280x128xf32>
    %add3A_11 = arith.addf %dot_general3A_7, %add3A : vector<1280x128xf32>
    %get3A_12 = arith.constant 0 : index
    %get3A_13 = arith.constant 0 : index
    %get3A_14 = vector.load %arg4[%get3A_12, %get3A_13] : memref<1280x128xf32, #tpu.memory_space<vmem>>, vector<1280x128xf32>
    %add3A_15 = arith.addf %add3A_11, %get3A_14 : vector<1280x128xf32>
    %get3A_16 = arith.constant 0 : index
    %get3A_17 = arith.constant 0 : index
    %get3A_18 = arith.constant 0 : index
    %get3A_19 = vector.load %arg5[%get3A_16, %get3A_17, %get3A_18] : memref<1x1x1280xi32, #tpu.memory_space<vmem>>, vector<1x1x1280xi32>
    %get3A_20 = vector.shape_cast %get3A_19 : vector<1x1x1280xi32> to vector<1280xi32>
    %broadcast_in_dim3A = vector.shape_cast %get3A_20 : vector<1280xi32> to vector<1280x1xi32>
    %iota3A = tpu.iota {dimensions = array<i32: 1>} : vector<1280x64xi32>
    %slice3A = vector.extract_strided_slice %get3A_20 {offsets = [0], sizes = [1], strides = [1]} : vector<1280xi32> to vector<1xi32>
    %squeeze3A = vector.extract %slice3A[0] : i32 from vector<1xi32>
    %slice3A_21 = vector.extract_strided_slice %get3A_20 {offsets = [1279], sizes = [1], strides = [1]} : vector<1280xi32> to vector<1xi32>
    %squeeze3A_22 = vector.extract %slice3A_21[0] : i32 from vector<1xi32>
    %jit3A = arith.constant 8 : i32
    %div3A = arith.divsi %squeeze3A, %jit3A : i32
    %sign3A = arith.constant 0 : i32
    %sign3A_23 = arith.cmpi sgt, %squeeze3A, %sign3A : i32
    %sign3A_24 = arith.extui %sign3A_23 : i1 to i32
    %sign3A_25 = arith.constant 0 : i32
    %sign3A_26 = arith.cmpi slt, %squeeze3A, %sign3A_25 : i32
    %sign3A_27 = arith.extui %sign3A_26 : i1 to i32
    %sign3A_28 = arith.subi %sign3A_24, %sign3A_27 : i32
    %sign3A_29 = arith.constant 0 : i32
    %sign3A_30 = arith.cmpi sgt, %jit3A, %sign3A_29 : i32
    %sign3A_31 = arith.extui %sign3A_30 : i1 to i32
    %sign3A_32 = arith.constant 0 : i32
    %sign3A_33 = arith.cmpi slt, %jit3A, %sign3A_32 : i32
    %sign3A_34 = arith.extui %sign3A_33 : i1 to i32
    %sign3A_35 = arith.subi %sign3A_31, %sign3A_34 : i32
    %ne3A = arith.cmpi ne, %sign3A_28, %sign3A_35 : i32
    %rem3A = arith.remsi %squeeze3A, %jit3A : i32
    %ne3A_36 = arith.constant 0 : i32
    %ne3A_37 = arith.cmpi ne, %rem3A, %ne3A_36 : i32
    %and3A = arith.andi %ne3A, %ne3A_37 : i1
    %sub3A = arith.constant 1 : i32
    %sub3A_38 = arith.subi %div3A, %sub3A : i32
    %select_n3A = arith.select %and3A, %sub3A_38, %div3A : i32
    %mul3A = arith.constant 8 : i32
    %mul3A_39 = arith.muli %select_n3A, %mul3A : i32
    %min3A = arith.constant 9936 : i32
    %min3A_40 = arith.minsi %mul3A_39, %min3A : i32
    %sub3A_41 = arith.subi %squeeze3A_22, %min3A_40 : i32
    %jit3A_42 = arith.constant 64 : i32
    %div3A_43 = arith.divsi %sub3A_41, %jit3A_42 : i32
    %sign3A_44 = arith.constant 0 : i32
    %sign3A_45 = arith.cmpi sgt, %sub3A_41, %sign3A_44 : i32
    %sign3A_46 = arith.extui %sign3A_45 : i1 to i32
    %sign3A_47 = arith.constant 0 : i32
    %sign3A_48 = arith.cmpi slt, %sub3A_41, %sign3A_47 : i32
    %sign3A_49 = arith.extui %sign3A_48 : i1 to i32
    %sign3A_50 = arith.subi %sign3A_46, %sign3A_49 : i32
    %sign3A_51 = arith.constant 0 : i32
    %sign3A_52 = arith.cmpi sgt, %jit3A_42, %sign3A_51 : i32
    %sign3A_53 = arith.extui %sign3A_52 : i1 to i32
    %sign3A_54 = arith.constant 0 : i32
    %sign3A_55 = arith.cmpi slt, %jit3A_42, %sign3A_54 : i32
    %sign3A_56 = arith.extui %sign3A_55 : i1 to i32
    %sign3A_57 = arith.subi %sign3A_53, %sign3A_56 : i32
    %ne3A_58 = arith.cmpi ne, %sign3A_50, %sign3A_57 : i32
    %rem3A_59 = arith.remsi %sub3A_41, %jit3A_42 : i32
    %ne3A_60 = arith.constant 0 : i32
    %ne3A_61 = arith.cmpi ne, %rem3A_59, %ne3A_60 : i32
    %and3A_62 = arith.andi %ne3A_58, %ne3A_61 : i1
    %sub3A_63 = arith.constant 1 : i32
    %sub3A_64 = arith.subi %div3A_43, %sub3A_63 : i32
    %select_n3A_65 = arith.select %and3A_62, %sub3A_64, %div3A_43 : i32
    %add3A_66 = arith.constant 1 : i32
    %add3A_67 = arith.addi %select_n3A_65, %add3A_66 : i32
    %while3A = arith.constant 0 : i32
    %while3A_68 = arith.subi %add3A_67, %while3A : i32
    %while3A_69 = arith.addi %while3A, %while3A_68 : i32
    %while3A_70 = arith.constant 1 : i32
    %while3A_71 = arith.divsi %while3A_68, %while3A_70 : i32
    %while3A_72 = arith.muli %while3A_71, %while3A_70 : i32
    %while3A_73 = arith.addi %while3A, %while3A_72 : i32
    %while3A_74 = arith.constant 1 : i32
    %while3A_75 = scf.for %while3A_95 = %while3A to %while3A_73 step %while3A_74 iter_args(%while3A_96 = %add3A_15) -> (vector<1280x128xf32>)  : i32 {
      %mul3A_97 = arith.constant 64 : i32
      %mul3A_98 = arith.muli %while3A_95, %mul3A_97 : i32
      %add3A_99 = arith.addi %min3A_40, %mul3A_98 : i32
      %min3A_100 = arith.constant 9936 : i32
      %min3A_101 = arith.minsi %add3A_99, %min3A_100 : i32
      %sub3A_102 = vector.broadcast %min3A_101 : i32 to vector<1280x1xi32>
      %sub3A_103 = arith.subi %broadcast_in_dim3A, %sub3A_102 : vector<1280x1xi32>
      %eq3A_104 = vector.broadcast %sub3A_103 : vector<1280x1xi32> to vector<1280x64xi32>
      %eq3A_105 = arith.cmpi eq, %eq3A_104, %iota3A : vector<1280x64xi32>
      %ge3A = vector.broadcast %add3A_99 : i32 to vector<1280x1xi32>
      %ge3A_106 = arith.cmpi sge, %broadcast_in_dim3A, %ge3A : vector<1280x1xi32>
      %and3A_107 = vector.broadcast %ge3A_106 : vector<1280x1xi1> to vector<1280x64xi1>
      %and3A_108 = arith.andi %eq3A_105, %and3A_107 : vector<1280x64xi1>
      %convert_element_type3A_109 = arith.extui %and3A_108 : vector<1280x64xi1> to vector<1280x64xi32>
      %convert_element_type3A_110 = arith.sitofp %convert_element_type3A_109 : vector<1280x64xi32> to vector<1280x64xf32>
      %convert_element_type3A_111 = arith.truncf %convert_element_type3A_110 : vector<1280x64xf32> to vector<1280x64xbf16>
      %get3A_112 = arith.index_cast %min3A_101 : i32 to index
      %get3A_113 = arith.constant 0 : index
      %get3A_114 = vector.load %arg6[%get3A_112, %get3A_113] : memref<10000x128xf32, #tpu.memory_space<vmem>>, vector<64x128xf32>
      %convert_element_type3A_115 = arith.truncf %get3A_114 : vector<64x128xf32> to vector<64x128xbf16>
      %dot_general3A_116 = arith.constant dense<0.000000e+00> : vector<1280x128xf32>
      %dot_general3A_117 = tpu.matmul %convert_element_type3A_111, %convert_element_type3A_115, %dot_general3A_116 {dimension_numbers = #tpu.dot_dimension_numbers<[1], [0], [0], [1], [0, 0, 1, 1], [], []>, transpose_lhs_hint = false} : vector<1280x64xbf16>, vector<64x128xbf16>, vector<1280x128xf32> -> vector<1280x128xf32>
      %add3A_118 = arith.addf %while3A_96, %dot_general3A_117 : vector<1280x128xf32>
      scf.yield %add3A_118 : vector<1280x128xf32>
    }
    %while3A_76 = arith.constant 1 : i32
    %while3A_77 = scf.for %while3A_95 = %while3A_73 to %while3A_69 step %while3A_76 iter_args(%while3A_96 = %while3A_75) -> (vector<1280x128xf32>)  : i32 {
      %mul3A_97 = arith.constant 64 : i32
      %mul3A_98 = arith.muli %while3A_95, %mul3A_97 : i32
      %add3A_99 = arith.addi %min3A_40, %mul3A_98 : i32
      %min3A_100 = arith.constant 9936 : i32
      %min3A_101 = arith.minsi %add3A_99, %min3A_100 : i32
      %sub3A_102 = vector.broadcast %min3A_101 : i32 to vector<1280x1xi32>
      %sub3A_103 = arith.subi %broadcast_in_dim3A, %sub3A_102 : vector<1280x1xi32>
      %eq3A_104 = vector.broadcast %sub3A_103 : vector<1280x1xi32> to vector<1280x64xi32>
      %eq3A_105 = arith.cmpi eq, %eq3A_104, %iota3A : vector<1280x64xi32>
      %ge3A = vector.broadcast %add3A_99 : i32 to vector<1280x1xi32>
      %ge3A_106 = arith.cmpi sge, %broadcast_in_dim3A, %ge3A : vector<1280x1xi32>
      %and3A_107 = vector.broadcast %ge3A_106 : vector<1280x1xi1> to vector<1280x64xi1>
      %and3A_108 = arith.andi %eq3A_105, %and3A_107 : vector<1280x64xi1>
      %convert_element_type3A_109 = arith.extui %and3A_108 : vector<1280x64xi1> to vector<1280x64xi32>
      %convert_element_type3A_110 = arith.sitofp %convert_element_type3A_109 : vector<1280x64xi32> to vector<1280x64xf32>
      %convert_element_type3A_111 = arith.truncf %convert_element_type3A_110 : vector<1280x64xf32> to vector<1280x64xbf16>
      %get3A_112 = arith.index_cast %min3A_101 : i32 to index
      %get3A_113 = arith.constant 0 : index
      %get3A_114 = vector.load %arg6[%get3A_112, %get3A_113] : memref<10000x128xf32, #tpu.memory_space<vmem>>, vector<64x128xf32>
      %convert_element_type3A_115 = arith.truncf %get3A_114 : vector<64x128xf32> to vector<64x128xbf16>
      %dot_general3A_116 = arith.constant dense<0.000000e+00> : vector<1280x128xf32>
      %dot_general3A_117 = tpu.matmul %convert_element_type3A_111, %convert_element_type3A_115, %dot_general3A_116 {dimension_numbers = #tpu.dot_dimension_numbers<[1], [0], [0], [1], [0, 0, 1, 1], [], []>, transpose_lhs_hint = false} : vector<1280x64xbf16>, vector<64x128xbf16>, vector<1280x128xf32> -> vector<1280x128xf32>
      %add3A_118 = arith.addf %while3A_96, %dot_general3A_117 : vector<1280x128xf32>
      scf.yield %add3A_118 : vector<1280x128xf32>
    }
    %max3A = arith.constant 0.000000e+00 : f32
    %max3A_78 = vector.broadcast %max3A : f32 to vector<1280x128xf32>
    %max3A_79 = arith.maximumf %while3A_77, %max3A_78 : vector<1280x128xf32>
    %swap3A = arith.constant 0 : index
    %swap3A_80 = arith.constant 0 : index
    %swap3A_81 = vector.load %arg7[%swap3A, %swap3A_80] : memref<1280x128xf32, #tpu.memory_space<vmem>>, vector<1280x128xf32>
    tpu.vector_store %arg7[%swap3A, %swap3A_80], %max3A_79 {strides = array<i32>} : memref<1280x128xf32, #tpu.memory_space<vmem>>, vector<1280x128xf32>,
    %convert_element_type3A_82 = arith.truncf %max3A_79 : vector<1280x128xf32> to vector<1280x128xbf16>
    %while3A_83 = arith.constant 0 : i32
    %while3A_84 = arith.constant 0 : i32
    %while3A_85 = arith.subi %add3A_67, %while3A_83 : i32
    %while3A_86 = arith.addi %while3A_83, %while3A_85 : i32
    %while3A_87 = arith.constant 1 : i32
    %while3A_88 = arith.divsi %while3A_85, %while3A_87 : i32
    %while3A_89 = arith.muli %while3A_88, %while3A_87 : i32
    %while3A_90 = arith.addi %while3A_83, %while3A_89 : i32
    %while3A_91 = arith.constant 1 : i32
    %while3A_92 = scf.for %while3A_95 = %while3A_83 to %while3A_90 step %while3A_91 iter_args(%while3A_96 = %while3A_84) -> (i32)  : i32 {
      %mul3A_97 = arith.constant 64 : i32
      %mul3A_98 = arith.muli %while3A_95, %mul3A_97 : i32
      %add3A_99 = arith.addi %min3A_40, %mul3A_98 : i32
      %min3A_100 = arith.constant 9936 : i32
      %min3A_101 = arith.minsi %add3A_99, %min3A_100 : i32
      %sub3A_102 = vector.broadcast %min3A_101 : i32 to vector<1280x1xi32>
      %sub3A_103 = arith.subi %broadcast_in_dim3A, %sub3A_102 : vector<1280x1xi32>
      %eq3A_104 = vector.broadcast %sub3A_103 : vector<1280x1xi32> to vector<1280x64xi32>
      %eq3A_105 = arith.cmpi eq, %eq3A_104, %iota3A : vector<1280x64xi32>
      %ge3A = vector.broadcast %add3A_99 : i32 to vector<1280x1xi32>
      %ge3A_106 = arith.cmpi sge, %broadcast_in_dim3A, %ge3A : vector<1280x1xi32>
      %and3A_107 = vector.broadcast %ge3A_106 : vector<1280x1xi1> to vector<1280x64xi1>
      %and3A_108 = arith.andi %eq3A_105, %and3A_107 : vector<1280x64xi1>
      %convert_element_type3A_109 = arith.extui %and3A_108 : vector<1280x64xi1> to vector<1280x64xi32>
      %convert_element_type3A_110 = arith.sitofp %convert_element_type3A_109 : vector<1280x64xi32> to vector<1280x64xf32>
      %convert_element_type3A_111 = arith.truncf %convert_element_type3A_110 : vector<1280x64xf32> to vector<1280x64xbf16>
      %dot_general3A_112 = arith.constant dense<0.000000e+00> : vector<64x128xf32>
      %dot_general3A_113 = tpu.matmul %convert_element_type3A_111, %convert_element_type3A_82, %dot_general3A_112 {dimension_numbers = #tpu.dot_dimension_numbers<[0], [0], [1], [1], [0, 1, 1, 1], [], []>, transpose_lhs_hint = false} : vector<1280x64xbf16>, vector<1280x128xbf16>, vector<64x128xf32> -> vector<64x128xf32>
      %get3A_114 = arith.index_cast %min3A_101 : i32 to index
      %get3A_115 = arith.constant 0 : index
      %get3A_116 = vector.load %arg8[%get3A_114, %get3A_115] : memref<10000x128xf32, #tpu.memory_space<vmem>>, vector<64x128xf32>
      %add3A_117 = arith.addf %get3A_116, %dot_general3A_113 : vector<64x128xf32>
      %swap3A_118 = arith.index_cast %min3A_101 : i32 to index
      %swap3A_119 = arith.constant 0 : index
      %swap3A_120 = vector.load %arg8[%swap3A_118, %swap3A_119] : memref<10000x128xf32, #tpu.memory_space<vmem>>, vector<64x128xf32>
      tpu.vector_store %arg8[%swap3A_118, %swap3A_119], %add3A_117 {strides = array<i32>} : memref<10000x128xf32, #tpu.memory_space<vmem>>, vector<64x128xf32>,
      %while3A_121 = arith.constant 0 : i32
      scf.yield %while3A_121 : i32
    }
    %while3A_93 = arith.constant 1 : i32
    %while3A_94 = scf.for %while3A_95 = %while3A_90 to %while3A_86 step %while3A_93 iter_args(%while3A_96 = %while3A_92) -> (i32)  : i32 {
      %mul3A_97 = arith.constant 64 : i32
      %mul3A_98 = arith.muli %while3A_95, %mul3A_97 : i32
      %add3A_99 = arith.addi %min3A_40, %mul3A_98 : i32
      %min3A_100 = arith.constant 9936 : i32
      %min3A_101 = arith.minsi %add3A_99, %min3A_100 : i32
      %sub3A_102 = vector.broadcast %min3A_101 : i32 to vector<1280x1xi32>
      %sub3A_103 = arith.subi %broadcast_in_dim3A, %sub3A_102 : vector<1280x1xi32>
      %eq3A_104 = vector.broadcast %sub3A_103 : vector<1280x1xi32> to vector<1280x64xi32>
      %eq3A_105 = arith.cmpi eq, %eq3A_104, %iota3A : vector<1280x64xi32>
      %ge3A = vector.broadcast %add3A_99 : i32 to vector<1280x1xi32>
      %ge3A_106 = arith.cmpi sge, %broadcast_in_dim3A, %ge3A : vector<1280x1xi32>
      %and3A_107 = vector.broadcast %ge3A_106 : vector<1280x1xi1> to vector<1280x64xi1>
      %and3A_108 = arith.andi %eq3A_105, %and3A_107 : vector<1280x64xi1>
      %convert_element_type3A_109 = arith.extui %and3A_108 : vector<1280x64xi1> to vector<1280x64xi32>
      %convert_element_type3A_110 = arith.sitofp %convert_element_type3A_109 : vector<1280x64xi32> to vector<1280x64xf32>
      %convert_element_type3A_111 = arith.truncf %convert_element_type3A_110 : vector<1280x64xf32> to vector<1280x64xbf16>
      %dot_general3A_112 = arith.constant dense<0.000000e+00> : vector<64x128xf32>
      %dot_general3A_113 = tpu.matmul %convert_element_type3A_111, %convert_element_type3A_82, %dot_general3A_112 {dimension_numbers = #tpu.dot_dimension_numbers<[0], [0], [1], [1], [0, 1, 1, 1], [], []>, transpose_lhs_hint = false} : vector<1280x64xbf16>, vector<1280x128xbf16>, vector<64x128xf32> -> vector<64x128xf32>
      %get3A_114 = arith.index_cast %min3A_101 : i32 to index
      %get3A_115 = arith.constant 0 : index
      %get3A_116 = vector.load %arg8[%get3A_114, %get3A_115] : memref<10000x128xf32, #tpu.memory_space<vmem>>, vector<64x128xf32>
      %add3A_117 = arith.addf %get3A_116, %dot_general3A_113 : vector<64x128xf32>
      %swap3A_118 = arith.index_cast %min3A_101 : i32 to index
      %swap3A_119 = arith.constant 0 : index
      %swap3A_120 = vector.load %arg8[%swap3A_118, %swap3A_119] : memref<10000x128xf32, #tpu.memory_space<vmem>>, vector<64x128xf32>
      tpu.vector_store %arg8[%swap3A_118, %swap3A_119], %add3A_117 {strides = array<i32>} : memref<10000x128xf32, #tpu.memory_space<vmem>>, vector<64x128xf32>,
      %while3A_121 = arith.constant 0 : i32
      scf.yield %while3A_121 : i32
    }
    return
  }
  func.func @transform_0(%arg0: i32) -> (i32, i32) {
    %c0_i32 = arith.constant 0 : i32
    %c0_i32_0 = arith.constant 0 : i32
    return %c0_i32, %arg0 : i32, i32
  }
  func.func @transform_1(%arg0: i32) -> (i32, i32) {
    %c0_i32 = arith.constant 0 : i32
    %c0_i32_0 = arith.constant 0 : i32
    %c0_i32_1 = arith.constant 0 : i32
    return %c0_i32, %c0_i32_0 : i32, i32
  }
  func.func @transform_2(%arg0: i32) -> (i32, i32) {
    %c0_i32 = arith.constant 0 : i32
    %c0_i32_0 = arith.constant 0 : i32
    %c0_i32_1 = arith.constant 0 : i32
    return %c0_i32, %c0_i32_0 : i32, i32
  }
  func.func @transform_3(%arg0: i32) -> (i32, i32) {
    %c0_i32 = arith.constant 0 : i32
    %c0_i32_0 = arith.constant 0 : i32
    return %arg0, %c0_i32 : i32, i32
  }
  func.func @transform_4(%arg0: i32) -> (i32, i32, i32) {
    %c0_i32 = arith.constant 0 : i32
    %c0_i32_0 = arith.constant 0 : i32
    %c0_i32_1 = arith.constant 0 : i32
    return %arg0, %c0_i32, %c0_i32_0 : i32, i32, i32
  }
  func.func @transform_5(%arg0: i32) -> (i32, i32) {
    %c0_i32 = arith.constant 0 : i32
    %c0_i32_0 = arith.constant 0 : i32
    %c0_i32_1 = arith.constant 0 : i32
    return %c0_i32, %c0_i32_0 : i32, i32
  }
  func.func @transform_6(%arg0: i32) -> (i32, i32) {
    %c0_i32 = arith.constant 0 : i32
    %c0_i32_0 = arith.constant 0 : i32
    return %arg0, %c0_i32 : i32, i32
  }
  func.func @transform_7(%arg0: i32) -> (i32, i32) {
    %c0_i32 = arith.constant 0 : i32
    %c0_i32_0 = arith.constant 0 : i32
    %c0_i32_1 = arith.constant 0 : i32
    return %c0_i32, %c0_i32_0 : i32, i32
  }
}

module attributes {stable_mosaic.version = 14 : i64} {
  func.func @_edge_agg_body(%arg0: i32, %arg1: memref<16x1280xf32, #tpu.memory_space<vmem>>, %arg2: memref<16x128xf32, #tpu.memory_space<vmem>>, %arg3: memref<1x128xf32, #tpu.memory_space<vmem>>, %arg4: memref<1280x128xf32, #tpu.memory_space<vmem>>, %arg5: memref<1x1x1280xi32, #tpu.memory_space<vmem>>, %arg6: memref<10000x128xf32, #tpu.memory_space<vmem>>, %arg7: memref<8x128xf32, #tpu.memory_space<vmem>>, %arg8: memref<10000x128xf32, #tpu.memory_space<vmem>>, %arg9: memref<1280x128xf32, #tpu.memory_space<vmem>>, %arg10: memref<10000x128xf32, #tpu.memory_space<vmem>>) attributes {dimension_semantics = [#tpu.dimension_semantics<arbitrary>], iteration_bounds = array<i64: 125>, scalar_prefetch = 0 : i64, scratch_operands = 0 : i64, tpu.core_type = #tpu.core_type<tc>, window_params = [{transform_indices = @transform_0, window_bounds = array<i64: 16, 1280>}, {pipeline_mode = #tpu.pipeline_mode<synchronous>, transform_indices = @transform_1, window_bounds = array<i64: 16, 128>}, {pipeline_mode = #tpu.pipeline_mode<synchronous>, transform_indices = @transform_2, window_bounds = array<i64: 1, 128>}, {transform_indices = @transform_3, window_bounds = array<i64: 1280, 128>}, {transform_indices = @transform_4, window_bounds = array<i64: 1, 1, 1280>}, {pipeline_mode = #tpu.pipeline_mode<synchronous>, transform_indices = @transform_5, window_bounds = array<i64: 10000, 128>}, {transform_indices = @transform_6, window_bounds = array<i64: 8, 128>}, {pipeline_mode = #tpu.pipeline_mode<synchronous>, transform_indices = @transform_7, window_bounds = array<i64: 10000, 128>}, {transform_indices = @transform_8, window_bounds = array<i64: 1280, 128>}, {pipeline_mode = #tpu.pipeline_mode<synchronous>, transform_indices = @transform_9, window_bounds = array<i64: 10000, 128>}]} {
    %eq3A = arith.constant 0 : i32
    %eq3A_0 = arith.cmpi eq, %arg0, %eq3A : i32
    %convert_element_type3A = arith.extui %eq3A_0 : i1 to i32
    %cond3A = arith.constant 0 : i32
    %cond3A_1 = arith.cmpi ne, %convert_element_type3A, %cond3A : i32
    scf.if %cond3A_1 {
      %get3A_95 = arith.constant 0 : index
      %get3A_96 = arith.constant 0 : index
      %get3A_97 = vector.load %arg8[%get3A_95, %get3A_96] : memref<10000x128xf32, #tpu.memory_space<vmem>>, vector<10000x128xf32>
      %swap3A_98 = arith.constant 0 : index
      %swap3A_99 = arith.constant 0 : index
      %swap3A_100 = vector.load %arg10[%swap3A_98, %swap3A_99] : memref<10000x128xf32, #tpu.memory_space<vmem>>, vector<10000x128xf32>
      tpu.vector_store %arg10[%swap3A_98, %swap3A_99], %get3A_97 {strides = array<i32>} : memref<10000x128xf32, #tpu.memory_space<vmem>>, vector<10000x128xf32>,
    } else {
    }
    %get3A = arith.constant 0 : index
    %get3A_2 = arith.constant 0 : index
    %get3A_3 = vector.load %arg1[%get3A, %get3A_2] : memref<16x1280xf32, #tpu.memory_space<vmem>>, vector<16x1280xf32>
    %get3A_4 = arith.constant 0 : index
    %get3A_5 = arith.constant 0 : index
    %get3A_6 = vector.load %arg2[%get3A_4, %get3A_5] : memref<16x128xf32, #tpu.memory_space<vmem>>, vector<16x128xf32>
    %dot_general3A = arith.constant dense<0.000000e+00> : vector<1280x128xf32>
    %dot_general3A_7 = tpu.matmul %get3A_3, %get3A_6, %dot_general3A {dimension_numbers = #tpu.dot_dimension_numbers<[0], [0], [1], [1], [0, 1, 1, 1], [], []>, transpose_lhs_hint = false} : vector<16x1280xf32>, vector<16x128xf32>, vector<1280x128xf32> -> vector<1280x128xf32>
    %get3A_8 = arith.constant 0 : index
    %get3A_9 = arith.constant 0 : index
    %get3A_10 = vector.load %arg3[%get3A_8, %get3A_9] : memref<1x128xf32, #tpu.memory_space<vmem>>, vector<1x128xf32>
    %add3A = vector.broadcast %get3A_10 : vector<1x128xf32> to vector<1280x128xf32>
    %add3A_11 = arith.addf %dot_general3A_7, %add3A : vector<1280x128xf32>
    %get3A_12 = arith.constant 0 : index
    %get3A_13 = arith.constant 0 : index
    %get3A_14 = vector.load %arg4[%get3A_12, %get3A_13] : memref<1280x128xf32, #tpu.memory_space<vmem>>, vector<1280x128xf32>
    %add3A_15 = arith.addf %add3A_11, %get3A_14 : vector<1280x128xf32>
    %get3A_16 = arith.constant 0 : index
    %get3A_17 = arith.constant 0 : index
    %get3A_18 = arith.constant 0 : index
    %get3A_19 = vector.load %arg5[%get3A_16, %get3A_17, %get3A_18] : memref<1x1x1280xi32, #tpu.memory_space<vmem>>, vector<1x1x1280xi32>
    %get3A_20 = vector.shape_cast %get3A_19 : vector<1x1x1280xi32> to vector<1280xi32>
    %broadcast_in_dim3A = vector.shape_cast %get3A_20 : vector<1280xi32> to vector<1280x1xi32>
    %iota3A = tpu.iota {dimensions = array<i32: 1>} : vector<1280x64xi32>
    %slice3A = vector.extract_strided_slice %get3A_20 {offsets = [0], sizes = [1], strides = [1]} : vector<1280xi32> to vector<1xi32>
    %squeeze3A = vector.extract %slice3A[0] : i32 from vector<1xi32>
    %slice3A_21 = vector.extract_strided_slice %get3A_20 {offsets = [1279], sizes = [1], strides = [1]} : vector<1280xi32> to vector<1xi32>
    %squeeze3A_22 = vector.extract %slice3A_21[0] : i32 from vector<1xi32>
    %jit3A = arith.constant 8 : i32
    %div3A = arith.divsi %squeeze3A, %jit3A : i32
    %sign3A = arith.constant 0 : i32
    %sign3A_23 = arith.cmpi sgt, %squeeze3A, %sign3A : i32
    %sign3A_24 = arith.extui %sign3A_23 : i1 to i32
    %sign3A_25 = arith.constant 0 : i32
    %sign3A_26 = arith.cmpi slt, %squeeze3A, %sign3A_25 : i32
    %sign3A_27 = arith.extui %sign3A_26 : i1 to i32
    %sign3A_28 = arith.subi %sign3A_24, %sign3A_27 : i32
    %sign3A_29 = arith.constant 0 : i32
    %sign3A_30 = arith.cmpi sgt, %jit3A, %sign3A_29 : i32
    %sign3A_31 = arith.extui %sign3A_30 : i1 to i32
    %sign3A_32 = arith.constant 0 : i32
    %sign3A_33 = arith.cmpi slt, %jit3A, %sign3A_32 : i32
    %sign3A_34 = arith.extui %sign3A_33 : i1 to i32
    %sign3A_35 = arith.subi %sign3A_31, %sign3A_34 : i32
    %ne3A = arith.cmpi ne, %sign3A_28, %sign3A_35 : i32
    %rem3A = arith.remsi %squeeze3A, %jit3A : i32
    %ne3A_36 = arith.constant 0 : i32
    %ne3A_37 = arith.cmpi ne, %rem3A, %ne3A_36 : i32
    %and3A = arith.andi %ne3A, %ne3A_37 : i1
    %sub3A = arith.constant 1 : i32
    %sub3A_38 = arith.subi %div3A, %sub3A : i32
    %select_n3A = arith.select %and3A, %sub3A_38, %div3A : i32
    %mul3A = arith.constant 8 : i32
    %mul3A_39 = arith.muli %select_n3A, %mul3A : i32
    %min3A = arith.constant 9936 : i32
    %min3A_40 = arith.minsi %mul3A_39, %min3A : i32
    %sub3A_41 = arith.subi %squeeze3A_22, %min3A_40 : i32
    %jit3A_42 = arith.constant 64 : i32
    %div3A_43 = arith.divsi %sub3A_41, %jit3A_42 : i32
    %sign3A_44 = arith.constant 0 : i32
    %sign3A_45 = arith.cmpi sgt, %sub3A_41, %sign3A_44 : i32
    %sign3A_46 = arith.extui %sign3A_45 : i1 to i32
    %sign3A_47 = arith.constant 0 : i32
    %sign3A_48 = arith.cmpi slt, %sub3A_41, %sign3A_47 : i32
    %sign3A_49 = arith.extui %sign3A_48 : i1 to i32
    %sign3A_50 = arith.subi %sign3A_46, %sign3A_49 : i32
    %sign3A_51 = arith.constant 0 : i32
    %sign3A_52 = arith.cmpi sgt, %jit3A_42, %sign3A_51 : i32
    %sign3A_53 = arith.extui %sign3A_52 : i1 to i32
    %sign3A_54 = arith.constant 0 : i32
    %sign3A_55 = arith.cmpi slt, %jit3A_42, %sign3A_54 : i32
    %sign3A_56 = arith.extui %sign3A_55 : i1 to i32
    %sign3A_57 = arith.subi %sign3A_53, %sign3A_56 : i32
    %ne3A_58 = arith.cmpi ne, %sign3A_50, %sign3A_57 : i32
    %rem3A_59 = arith.remsi %sub3A_41, %jit3A_42 : i32
    %ne3A_60 = arith.constant 0 : i32
    %ne3A_61 = arith.cmpi ne, %rem3A_59, %ne3A_60 : i32
    %and3A_62 = arith.andi %ne3A_58, %ne3A_61 : i1
    %sub3A_63 = arith.constant 1 : i32
    %sub3A_64 = arith.subi %div3A_43, %sub3A_63 : i32
    %select_n3A_65 = arith.select %and3A_62, %sub3A_64, %div3A_43 : i32
    %add3A_66 = arith.constant 1 : i32
    %add3A_67 = arith.addi %select_n3A_65, %add3A_66 : i32
    %while3A = arith.constant 0 : i32
    %while3A_68 = arith.subi %add3A_67, %while3A : i32
    %while3A_69 = arith.addi %while3A, %while3A_68 : i32
    %while3A_70 = arith.constant 1 : i32
    %while3A_71 = arith.divsi %while3A_68, %while3A_70 : i32
    %while3A_72 = arith.muli %while3A_71, %while3A_70 : i32
    %while3A_73 = arith.addi %while3A, %while3A_72 : i32
    %while3A_74 = arith.constant 1 : i32
    %while3A_75 = scf.for %while3A_95 = %while3A to %while3A_73 step %while3A_74 iter_args(%while3A_96 = %add3A_15) -> (vector<1280x128xf32>)  : i32 {
      %mul3A_97 = arith.constant 64 : i32
      %mul3A_98 = arith.muli %while3A_95, %mul3A_97 : i32
      %add3A_99 = arith.addi %min3A_40, %mul3A_98 : i32
      %min3A_100 = arith.constant 9936 : i32
      %min3A_101 = arith.minsi %add3A_99, %min3A_100 : i32
      %sub3A_102 = vector.broadcast %min3A_101 : i32 to vector<1280x1xi32>
      %sub3A_103 = arith.subi %broadcast_in_dim3A, %sub3A_102 : vector<1280x1xi32>
      %eq3A_104 = vector.broadcast %sub3A_103 : vector<1280x1xi32> to vector<1280x64xi32>
      %eq3A_105 = arith.cmpi eq, %eq3A_104, %iota3A : vector<1280x64xi32>
      %ge3A = vector.broadcast %add3A_99 : i32 to vector<1280x1xi32>
      %ge3A_106 = arith.cmpi sge, %broadcast_in_dim3A, %ge3A : vector<1280x1xi32>
      %and3A_107 = vector.broadcast %ge3A_106 : vector<1280x1xi1> to vector<1280x64xi1>
      %and3A_108 = arith.andi %eq3A_105, %and3A_107 : vector<1280x64xi1>
      %convert_element_type3A_109 = arith.extui %and3A_108 : vector<1280x64xi1> to vector<1280x64xi32>
      %convert_element_type3A_110 = arith.sitofp %convert_element_type3A_109 : vector<1280x64xi32> to vector<1280x64xf32>
      %convert_element_type3A_111 = arith.truncf %convert_element_type3A_110 : vector<1280x64xf32> to vector<1280x64xbf16>
      %get3A_112 = arith.index_cast %min3A_101 : i32 to index
      %get3A_113 = arith.constant 0 : index
      %get3A_114 = vector.load %arg6[%get3A_112, %get3A_113] : memref<10000x128xf32, #tpu.memory_space<vmem>>, vector<64x128xf32>
      %convert_element_type3A_115 = arith.truncf %get3A_114 : vector<64x128xf32> to vector<64x128xbf16>
      %dot_general3A_116 = arith.constant dense<0.000000e+00> : vector<1280x128xf32>
      %dot_general3A_117 = tpu.matmul %convert_element_type3A_111, %convert_element_type3A_115, %dot_general3A_116 {dimension_numbers = #tpu.dot_dimension_numbers<[1], [0], [0], [1], [0, 0, 1, 1], [], []>, transpose_lhs_hint = false} : vector<1280x64xbf16>, vector<64x128xbf16>, vector<1280x128xf32> -> vector<1280x128xf32>
      %add3A_118 = arith.addf %while3A_96, %dot_general3A_117 : vector<1280x128xf32>
      scf.yield %add3A_118 : vector<1280x128xf32>
    }
    %while3A_76 = arith.constant 1 : i32
    %while3A_77 = scf.for %while3A_95 = %while3A_73 to %while3A_69 step %while3A_76 iter_args(%while3A_96 = %while3A_75) -> (vector<1280x128xf32>)  : i32 {
      %mul3A_97 = arith.constant 64 : i32
      %mul3A_98 = arith.muli %while3A_95, %mul3A_97 : i32
      %add3A_99 = arith.addi %min3A_40, %mul3A_98 : i32
      %min3A_100 = arith.constant 9936 : i32
      %min3A_101 = arith.minsi %add3A_99, %min3A_100 : i32
      %sub3A_102 = vector.broadcast %min3A_101 : i32 to vector<1280x1xi32>
      %sub3A_103 = arith.subi %broadcast_in_dim3A, %sub3A_102 : vector<1280x1xi32>
      %eq3A_104 = vector.broadcast %sub3A_103 : vector<1280x1xi32> to vector<1280x64xi32>
      %eq3A_105 = arith.cmpi eq, %eq3A_104, %iota3A : vector<1280x64xi32>
      %ge3A = vector.broadcast %add3A_99 : i32 to vector<1280x1xi32>
      %ge3A_106 = arith.cmpi sge, %broadcast_in_dim3A, %ge3A : vector<1280x1xi32>
      %and3A_107 = vector.broadcast %ge3A_106 : vector<1280x1xi1> to vector<1280x64xi1>
      %and3A_108 = arith.andi %eq3A_105, %and3A_107 : vector<1280x64xi1>
      %convert_element_type3A_109 = arith.extui %and3A_108 : vector<1280x64xi1> to vector<1280x64xi32>
      %convert_element_type3A_110 = arith.sitofp %convert_element_type3A_109 : vector<1280x64xi32> to vector<1280x64xf32>
      %convert_element_type3A_111 = arith.truncf %convert_element_type3A_110 : vector<1280x64xf32> to vector<1280x64xbf16>
      %get3A_112 = arith.index_cast %min3A_101 : i32 to index
      %get3A_113 = arith.constant 0 : index
      %get3A_114 = vector.load %arg6[%get3A_112, %get3A_113] : memref<10000x128xf32, #tpu.memory_space<vmem>>, vector<64x128xf32>
      %convert_element_type3A_115 = arith.truncf %get3A_114 : vector<64x128xf32> to vector<64x128xbf16>
      %dot_general3A_116 = arith.constant dense<0.000000e+00> : vector<1280x128xf32>
      %dot_general3A_117 = tpu.matmul %convert_element_type3A_111, %convert_element_type3A_115, %dot_general3A_116 {dimension_numbers = #tpu.dot_dimension_numbers<[1], [0], [0], [1], [0, 0, 1, 1], [], []>, transpose_lhs_hint = false} : vector<1280x64xbf16>, vector<64x128xbf16>, vector<1280x128xf32> -> vector<1280x128xf32>
      %add3A_118 = arith.addf %while3A_96, %dot_general3A_117 : vector<1280x128xf32>
      scf.yield %add3A_118 : vector<1280x128xf32>
    }
    %max3A = arith.constant 0.000000e+00 : f32
    %max3A_78 = vector.broadcast %max3A : f32 to vector<1280x128xf32>
    %max3A_79 = arith.maximumf %while3A_77, %max3A_78 : vector<1280x128xf32>
    %swap3A = arith.constant 0 : index
    %swap3A_80 = arith.constant 0 : index
    %swap3A_81 = vector.load %arg9[%swap3A, %swap3A_80] : memref<1280x128xf32, #tpu.memory_space<vmem>>, vector<1280x128xf32>
    tpu.vector_store %arg9[%swap3A, %swap3A_80], %max3A_79 {strides = array<i32>} : memref<1280x128xf32, #tpu.memory_space<vmem>>, vector<1280x128xf32>,
    %convert_element_type3A_82 = arith.truncf %max3A_79 : vector<1280x128xf32> to vector<1280x128xbf16>
    %while3A_83 = arith.constant 0 : i32
    %while3A_84 = arith.constant 0 : i32
    %while3A_85 = arith.subi %add3A_67, %while3A_83 : i32
    %while3A_86 = arith.addi %while3A_83, %while3A_85 : i32
    %while3A_87 = arith.constant 1 : i32
    %while3A_88 = arith.divsi %while3A_85, %while3A_87 : i32
    %while3A_89 = arith.muli %while3A_88, %while3A_87 : i32
    %while3A_90 = arith.addi %while3A_83, %while3A_89 : i32
    %while3A_91 = arith.constant 1 : i32
    %while3A_92 = scf.for %while3A_95 = %while3A_83 to %while3A_90 step %while3A_91 iter_args(%while3A_96 = %while3A_84) -> (i32)  : i32 {
      %mul3A_97 = arith.constant 64 : i32
      %mul3A_98 = arith.muli %while3A_95, %mul3A_97 : i32
      %add3A_99 = arith.addi %min3A_40, %mul3A_98 : i32
      %min3A_100 = arith.constant 9936 : i32
      %min3A_101 = arith.minsi %add3A_99, %min3A_100 : i32
      %sub3A_102 = vector.broadcast %min3A_101 : i32 to vector<1280x1xi32>
      %sub3A_103 = arith.subi %broadcast_in_dim3A, %sub3A_102 : vector<1280x1xi32>
      %eq3A_104 = vector.broadcast %sub3A_103 : vector<1280x1xi32> to vector<1280x64xi32>
      %eq3A_105 = arith.cmpi eq, %eq3A_104, %iota3A : vector<1280x64xi32>
      %ge3A = vector.broadcast %add3A_99 : i32 to vector<1280x1xi32>
      %ge3A_106 = arith.cmpi sge, %broadcast_in_dim3A, %ge3A : vector<1280x1xi32>
      %and3A_107 = vector.broadcast %ge3A_106 : vector<1280x1xi1> to vector<1280x64xi1>
      %and3A_108 = arith.andi %eq3A_105, %and3A_107 : vector<1280x64xi1>
      %convert_element_type3A_109 = arith.extui %and3A_108 : vector<1280x64xi1> to vector<1280x64xi32>
      %convert_element_type3A_110 = arith.sitofp %convert_element_type3A_109 : vector<1280x64xi32> to vector<1280x64xf32>
      %convert_element_type3A_111 = arith.truncf %convert_element_type3A_110 : vector<1280x64xf32> to vector<1280x64xbf16>
      %dot_general3A_112 = arith.constant dense<0.000000e+00> : vector<64x128xf32>
      %dot_general3A_113 = tpu.matmul %convert_element_type3A_111, %convert_element_type3A_82, %dot_general3A_112 {dimension_numbers = #tpu.dot_dimension_numbers<[0], [0], [1], [1], [0, 1, 1, 1], [], []>, transpose_lhs_hint = false} : vector<1280x64xbf16>, vector<1280x128xbf16>, vector<64x128xf32> -> vector<64x128xf32>
      %get3A_114 = arith.index_cast %min3A_101 : i32 to index
      %get3A_115 = arith.constant 0 : index
      %get3A_116 = vector.load %arg10[%get3A_114, %get3A_115] : memref<10000x128xf32, #tpu.memory_space<vmem>>, vector<64x128xf32>
      %add3A_117 = arith.addf %get3A_116, %dot_general3A_113 : vector<64x128xf32>
      %swap3A_118 = arith.index_cast %min3A_101 : i32 to index
      %swap3A_119 = arith.constant 0 : index
      %swap3A_120 = vector.load %arg10[%swap3A_118, %swap3A_119] : memref<10000x128xf32, #tpu.memory_space<vmem>>, vector<64x128xf32>
      tpu.vector_store %arg10[%swap3A_118, %swap3A_119], %add3A_117 {strides = array<i32>} : memref<10000x128xf32, #tpu.memory_space<vmem>>, vector<64x128xf32>,
      %while3A_121 = arith.constant 0 : i32
      scf.yield %while3A_121 : i32
    }
    %while3A_93 = arith.constant 1 : i32
    %while3A_94 = scf.for %while3A_95 = %while3A_90 to %while3A_86 step %while3A_93 iter_args(%while3A_96 = %while3A_92) -> (i32)  : i32 {
      %mul3A_97 = arith.constant 64 : i32
      %mul3A_98 = arith.muli %while3A_95, %mul3A_97 : i32
      %add3A_99 = arith.addi %min3A_40, %mul3A_98 : i32
      %min3A_100 = arith.constant 9936 : i32
      %min3A_101 = arith.minsi %add3A_99, %min3A_100 : i32
      %sub3A_102 = vector.broadcast %min3A_101 : i32 to vector<1280x1xi32>
      %sub3A_103 = arith.subi %broadcast_in_dim3A, %sub3A_102 : vector<1280x1xi32>
      %eq3A_104 = vector.broadcast %sub3A_103 : vector<1280x1xi32> to vector<1280x64xi32>
      %eq3A_105 = arith.cmpi eq, %eq3A_104, %iota3A : vector<1280x64xi32>
      %ge3A = vector.broadcast %add3A_99 : i32 to vector<1280x1xi32>
      %ge3A_106 = arith.cmpi sge, %broadcast_in_dim3A, %ge3A : vector<1280x1xi32>
      %and3A_107 = vector.broadcast %ge3A_106 : vector<1280x1xi1> to vector<1280x64xi1>
      %and3A_108 = arith.andi %eq3A_105, %and3A_107 : vector<1280x64xi1>
      %convert_element_type3A_109 = arith.extui %and3A_108 : vector<1280x64xi1> to vector<1280x64xi32>
      %convert_element_type3A_110 = arith.sitofp %convert_element_type3A_109 : vector<1280x64xi32> to vector<1280x64xf32>
      %convert_element_type3A_111 = arith.truncf %convert_element_type3A_110 : vector<1280x64xf32> to vector<1280x64xbf16>
      %dot_general3A_112 = arith.constant dense<0.000000e+00> : vector<64x128xf32>
      %dot_general3A_113 = tpu.matmul %convert_element_type3A_111, %convert_element_type3A_82, %dot_general3A_112 {dimension_numbers = #tpu.dot_dimension_numbers<[0], [0], [1], [1], [0, 1, 1, 1], [], []>, transpose_lhs_hint = false} : vector<1280x64xbf16>, vector<1280x128xbf16>, vector<64x128xf32> -> vector<64x128xf32>
      %get3A_114 = arith.index_cast %min3A_101 : i32 to index
      %get3A_115 = arith.constant 0 : index
      %get3A_116 = vector.load %arg10[%get3A_114, %get3A_115] : memref<10000x128xf32, #tpu.memory_space<vmem>>, vector<64x128xf32>
      %add3A_117 = arith.addf %get3A_116, %dot_general3A_113 : vector<64x128xf32>
      %swap3A_118 = arith.index_cast %min3A_101 : i32 to index
      %swap3A_119 = arith.constant 0 : index
      %swap3A_120 = vector.load %arg10[%swap3A_118, %swap3A_119] : memref<10000x128xf32, #tpu.memory_space<vmem>>, vector<64x128xf32>
      tpu.vector_store %arg10[%swap3A_118, %swap3A_119], %add3A_117 {strides = array<i32>} : memref<10000x128xf32, #tpu.memory_space<vmem>>, vector<64x128xf32>,
      %while3A_121 = arith.constant 0 : i32
      scf.yield %while3A_121 : i32
    }
    return
  }
  func.func @transform_0(%arg0: i32) -> (i32, i32) {
    %add3A = arith.constant 125 : i32
    %add3A_0 = arith.addi %arg0, %add3A : i32
    %c0_i32 = arith.constant 0 : i32
    %c0_i32_1 = arith.constant 0 : i32
    return %c0_i32, %add3A_0 : i32, i32
  }
  func.func @transform_1(%arg0: i32) -> (i32, i32) {
    %c0_i32 = arith.constant 0 : i32
    %c0_i32_0 = arith.constant 0 : i32
    %c0_i32_1 = arith.constant 0 : i32
    return %c0_i32, %c0_i32_0 : i32, i32
  }
  func.func @transform_2(%arg0: i32) -> (i32, i32) {
    %c0_i32 = arith.constant 0 : i32
    %c0_i32_0 = arith.constant 0 : i32
    %c0_i32_1 = arith.constant 0 : i32
    return %c0_i32, %c0_i32_0 : i32, i32
  }
  func.func @transform_3(%arg0: i32) -> (i32, i32) {
    %c0_i32 = arith.constant 0 : i32
    %c0_i32_0 = arith.constant 0 : i32
    return %arg0, %c0_i32 : i32, i32
  }
  func.func @transform_4(%arg0: i32) -> (i32, i32, i32) {
    %add3A = arith.constant 125 : i32
    %add3A_0 = arith.addi %arg0, %add3A : i32
    %c0_i32 = arith.constant 0 : i32
    %c0_i32_1 = arith.constant 0 : i32
    %c0_i32_2 = arith.constant 0 : i32
    return %add3A_0, %c0_i32, %c0_i32_1 : i32, i32, i32
  }
  func.func @transform_5(%arg0: i32) -> (i32, i32) {
    %c0_i32 = arith.constant 0 : i32
    %c0_i32_0 = arith.constant 0 : i32
    %c0_i32_1 = arith.constant 0 : i32
    return %c0_i32, %c0_i32_0 : i32, i32
  }
  func.func @transform_6(%arg0: i32) -> (i32, i32) {
    %c0_i32 = arith.constant 0 : i32
    %c0_i32_0 = arith.constant 0 : i32
    %c0_i32_1 = arith.constant 0 : i32
    return %c0_i32, %c0_i32_0 : i32, i32
  }
  func.func @transform_7(%arg0: i32) -> (i32, i32) {
    %c0_i32 = arith.constant 0 : i32
    %c0_i32_0 = arith.constant 0 : i32
    %c0_i32_1 = arith.constant 0 : i32
    return %c0_i32, %c0_i32_0 : i32, i32
  }
  func.func @transform_8(%arg0: i32) -> (i32, i32) {
    %add3A = arith.constant 125 : i32
    %add3A_0 = arith.addi %arg0, %add3A : i32
    %c0_i32 = arith.constant 0 : i32
    %c0_i32_1 = arith.constant 0 : i32
    return %add3A_0, %c0_i32 : i32, i32
  }
  func.func @transform_9(%arg0: i32) -> (i32, i32) {
    %c0_i32 = arith.constant 0 : i32
    %c0_i32_0 = arith.constant 0 : i32
    %c0_i32_1 = arith.constant 0 : i32
    return %c0_i32, %c0_i32_0 : i32, i32
  }
}

module attributes {stable_mosaic.version = 14 : i64} {
  func.func @_node_body(%arg0: i32, %arg1: memref<1000x128xf32, #tpu.memory_space<vmem>>, %arg2: memref<1000x128xf32, #tpu.memory_space<vmem>>, %arg3: memref<128x128xf32, #tpu.memory_space<vmem>>, %arg4: memref<128x128xf32, #tpu.memory_space<vmem>>, %arg5: memref<1x128xf32, #tpu.memory_space<vmem>>, %arg6: memref<1000x128xf32, #tpu.memory_space<vmem>>) attributes {dimension_semantics = [#tpu.dimension_semantics<arbitrary>], iteration_bounds = array<i64: 10>, scalar_prefetch = 0 : i64, scratch_operands = 0 : i64, tpu.core_type = #tpu.core_type<tc>, window_params = [{transform_indices = @transform_0, window_bounds = array<i64: 1000, 128>}, {transform_indices = @transform_1, window_bounds = array<i64: 1000, 128>}, {pipeline_mode = #tpu.pipeline_mode<synchronous>, transform_indices = @transform_2, window_bounds = array<i64: 128, 128>}, {pipeline_mode = #tpu.pipeline_mode<synchronous>, transform_indices = @transform_3, window_bounds = array<i64: 128, 128>}, {pipeline_mode = #tpu.pipeline_mode<synchronous>, transform_indices = @transform_4, window_bounds = array<i64: 1, 128>}, {transform_indices = @transform_5, window_bounds = array<i64: 1000, 128>}]} {
    %get3A = arith.constant 0 : index
    %get3A_0 = arith.constant 0 : index
    %get3A_1 = vector.load %arg1[%get3A, %get3A_0] : memref<1000x128xf32, #tpu.memory_space<vmem>>, vector<1000x128xf32>
    %get3A_2 = arith.constant 0 : index
    %get3A_3 = arith.constant 0 : index
    %get3A_4 = vector.load %arg3[%get3A_2, %get3A_3] : memref<128x128xf32, #tpu.memory_space<vmem>>, vector<128x128xf32>
    %dot_general3A = arith.constant dense<0.000000e+00> : vector<1000x128xf32>
    %dot_general3A_5 = tpu.matmul %get3A_1, %get3A_4, %dot_general3A {dimension_numbers = #tpu.dot_dimension_numbers<[1], [0], [0], [1], [0, 0, 1, 1], [], []>, transpose_lhs_hint = false} : vector<1000x128xf32>, vector<128x128xf32>, vector<1000x128xf32> -> vector<1000x128xf32>
    %get3A_6 = arith.constant 0 : index
    %get3A_7 = arith.constant 0 : index
    %get3A_8 = vector.load %arg2[%get3A_6, %get3A_7] : memref<1000x128xf32, #tpu.memory_space<vmem>>, vector<1000x128xf32>
    %get3A_9 = arith.constant 0 : index
    %get3A_10 = arith.constant 0 : index
    %get3A_11 = vector.load %arg4[%get3A_9, %get3A_10] : memref<128x128xf32, #tpu.memory_space<vmem>>, vector<128x128xf32>
    %dot_general3A_12 = arith.constant dense<0.000000e+00> : vector<1000x128xf32>
    %dot_general3A_13 = tpu.matmul %get3A_8, %get3A_11, %dot_general3A_12 {dimension_numbers = #tpu.dot_dimension_numbers<[1], [0], [0], [1], [0, 0, 1, 1], [], []>, transpose_lhs_hint = false} : vector<1000x128xf32>, vector<128x128xf32>, vector<1000x128xf32> -> vector<1000x128xf32>
    %add3A = arith.addf %dot_general3A_5, %dot_general3A_13 : vector<1000x128xf32>
    %get3A_14 = arith.constant 0 : index
    %get3A_15 = arith.constant 0 : index
    %get3A_16 = vector.load %arg5[%get3A_14, %get3A_15] : memref<1x128xf32, #tpu.memory_space<vmem>>, vector<1x128xf32>
    %add3A_17 = vector.broadcast %get3A_16 : vector<1x128xf32> to vector<1000x128xf32>
    %add3A_18 = arith.addf %add3A, %add3A_17 : vector<1000x128xf32>
    %max3A = arith.constant 0.000000e+00 : f32
    %max3A_19 = vector.broadcast %max3A : f32 to vector<1000x128xf32>
    %max3A_20 = arith.maximumf %add3A_18, %max3A_19 : vector<1000x128xf32>
    %swap3A = arith.constant 0 : index
    %swap3A_21 = arith.constant 0 : index
    %swap3A_22 = vector.load %arg6[%swap3A, %swap3A_21] : memref<1000x128xf32, #tpu.memory_space<vmem>>, vector<1000x128xf32>
    tpu.vector_store %arg6[%swap3A, %swap3A_21], %max3A_20 {strides = array<i32>} : memref<1000x128xf32, #tpu.memory_space<vmem>>, vector<1000x128xf32>,
    return
  }
  func.func @transform_0(%arg0: i32) -> (i32, i32) {
    %c0_i32 = arith.constant 0 : i32
    %c0_i32_0 = arith.constant 0 : i32
    return %arg0, %c0_i32 : i32, i32
  }
  func.func @transform_1(%arg0: i32) -> (i32, i32) {
    %c0_i32 = arith.constant 0 : i32
    %c0_i32_0 = arith.constant 0 : i32
    return %arg0, %c0_i32 : i32, i32
  }
  func.func @transform_2(%arg0: i32) -> (i32, i32) {
    %c0_i32 = arith.constant 0 : i32
    %c0_i32_0 = arith.constant 0 : i32
    %c0_i32_1 = arith.constant 0 : i32
    return %c0_i32, %c0_i32_0 : i32, i32
  }
  func.func @transform_3(%arg0: i32) -> (i32, i32) {
    %c0_i32 = arith.constant 0 : i32
    %c0_i32_0 = arith.constant 0 : i32
    %c0_i32_1 = arith.constant 0 : i32
    return %c0_i32, %c0_i32_0 : i32, i32
  }
  func.func @transform_4(%arg0: i32) -> (i32, i32) {
    %c0_i32 = arith.constant 0 : i32
    %c0_i32_0 = arith.constant 0 : i32
    %c0_i32_1 = arith.constant 0 : i32
    return %c0_i32, %c0_i32_0 : i32, i32
  }
  func.func @transform_5(%arg0: i32) -> (i32, i32) {
    %c0_i32 = arith.constant 0 : i32
    %c0_i32_0 = arith.constant 0 : i32
    return %arg0, %c0_i32 : i32, i32
  }
}

</mosaic_0001>

<sc_bundles>
// kernel: _run.11.cloned.1.call-start
scs
__scs_entry_jumppad:
0x0: {  	(pc) =	sbr.rel $0x88, $3  }
0x1: {  	(tag) =	ssettag $0x0;
	lr =	simm.s32 $0x1  }
0x2: {  	[smem:$0x3F99] =	sst lr;
	_ =	strace $0xD0000000  }
0x3: {  	_ = 	snop  }
0x4: {  	_ = 	snop  }
0x5: {  	_ = 	snop  }
0x6: {  	_ = 	snop  }
0x7: {  	_ = 	snop  }
__scs_overlays_trampoline_lowered:
0x8: {  	[smem:$0x3FA8] =	sst s0  }
0x9: {  	[smem:$0x3FA9] =	sst s1  }
0xa: {  	[smem:$0x3FAA] =	sst s2  }
0xb: {  	[smem:$0x3FAB] =	sst s3  }
0xc: {  	[smem:$0x3FAC] =	sst s4  }
0xd: {  	[smem:$0x3FAD] =	sst s5  }
0xe: {  	[smem:$0x3FAE] =	sst s6  }
0xf: {  	[smem:$0x3FAF] =	sst s7  }
0x10: {  	[smem:$0x3FB0] =	sst s8  }
0x11: {  	[smem:$0x3FB1] =	sst s9;
	s0 =	simm.s32 @!p0 $0x0  }
0x12: {  	s1 =	sld [smem:$0x3F97];
	s0 =	simm.s32 @p0 $0x1  }
0x13: {  	[smem:$0x3FB2] =	sst s0;
	s0 =	simm.s32 @!p1 $0x0  }
0x14: {  	s2 =	sld [smem:$0x3F96];
	s0 =	simm.s32 @p1 $0x1  }
0x15: {  	[smem:$0x3FB3] =	sst s0;
	s0 =	simm.s32 @!p2 $0x0  }
0x16: {  	s3 =	sld [smem:$0x3FDB];
	s0 =	simm.s32 @p2 $0x1  }
0x17: {  	s4 =	simm.s32 $0x1BF5;
	[smem:$0x3FB5] =	sst s0  }
0x18: {  	s0 =	sld [smem:$0x3F98];
	_ =	swait.ge [sflag:s4], $0x0  }
0x19: {  	s7 =	sld [smem:$0x3F99]  }
0x1a: {  	s8 =	sadd.s32 $0xFFFFE003, lr  }
0x1b: {  	s9 =	sadd.s32 $0xFFFFFEF7, lr;
	s5 =	simm.s32 $0xFFFFFFFF;
	p2 =	slt.u32 s8, $0xFFFFF086  }
0x1c: {  	p1 =	slt.u32 s9, $0xF7A;
	s5 =	simm.s32 @!p2 $0x0  }
0x1d: {  	s5 =	simm.s32 @p1 $0x1;
	p0 =	seq.s32 s7, s2  }
0x1e: {  	s7 =	smul.u32 @!p0 $0xF7A, s2;
	p2 =	seq.s32 @!p0 s5, $0x0  }
0x1f: {  	s9 =	smul.u32 $0xF7A, s1;
	s8 =	simm.s32 @!p0 $0x1BF5;
	p2 =	por !p2, p0  }
0x20: {  	[sflag:s8] =	ssyncset.s32 @!p0 $0xFFFFF086;
	s6 =	sadd.s32 @!p0 s3, s7;
	s7 =	simm.s32 @!p0 $0x108  }
0x21: {  	s3 =	sadd.s32 s3, s9;
	s6 =	sadd.s32 @!p0 $0x88, s6;
	s7 =	simm.s32 @p2 $0x1082  }
0x22: {  	[simem:s7], [sflag:s8] =	dma.local @!p0 [hbm:s6], $0xF7A  }
0x23: {  	s9 =	sor.u32 $0xD0000000, s2;
	s6 =	simm.s32 $0x108;
	_ =	swait.ge @!p0 [sflag:s8], $0x0  }
0x24: {  	s3 =	sadd.s32 $0x88, s3;
	s6 =	simm.s32 @!p1 $0x1082;
	[sflag:s4] =	ssyncset.s32 $0xFFFFF086  }
0x25: {  	[simem:s6], [sflag:s4] =	dma.local [hbm:s3], $0xF7A  }
0x26: {  	[smem:$0x3F99] =	sst s1;
	(tag) =	ssettag s2;
	_ =	strace s9  }
0x27: {  	s1 =	sld [smem:$0x3FA9]  }
0x28: {  	s2 =	sld [smem:$0x3FAA]  }
0x29: {  	s4 =	sld [smem:$0x3FAC]  }
0x2a: {  	p0 =	seq.s32 s5, $0x0;
	s5 =	sld [smem:$0x3FAD]  }
0x2b: {  	s6 =	sld [smem:$0x3FAE]  }
0x2c: {  	s7 =	sld [smem:$0x3FAF]  }
0x2d: {  	s3 =	simm.s32 $0x108;
	s8 =	sld [smem:$0x3FB0]  }
0x2e: {  	s3 =	simm.s32 @!p0 $0x1082;
	s9 =	sld [smem:$0x3FB1]  }
0x2f: {  	lr =	sadd.s32 s0, s3;
	s0 =	sld [smem:$0x3FA8]  }
0x30: {  	s3 =	sld [smem:$0x3FAB]  }
0x31: {  	[smem:$0x3FB4] =	sst s10  }
0x32: {  	s10 =	sld [smem:$0x3FB2];
	_ =	sdelay $0x3  }
0x33: {  	p0 =	seq.s32 s10, $0x1;
	s10 =	sld [smem:$0x3FB4];
	_ =	sdelay $0x3  }
0x34: {  	[smem:$0x3FB4] =	sst s10  }
0x35: {  	s10 =	sld [smem:$0x3FB3];
	_ =	sdelay $0x3  }
0x36: {  	p1 =	seq.s32 s10, $0x1;
	s10 =	sld [smem:$0x3FB4];
	_ =	sdelay $0x3  }
0x37: {  	[smem:$0x3FB4] =	sst s10  }
0x38: {  	s10 =	sld [smem:$0x3FB5]  }
0x39: {  	_ = 	snop;
	(pc) =	sbr.ind lr, $3  }
0x3a: {  	_ = 	snop  }
0x3b: {  	_ = 	snop  }
0x3c: {  	p2 =	seq.s32 s10, $0x1;
	s10 =	sld [smem:$0x3FB4]  }
0x3d: {  	_ =	shalt  }
0x3e: {  	_ =	shalt  }
0x3f: {  	_ =	shalt  }
0x40: {  	_ =	shalt  }
0x41: {  	_ =	shalt  }
0x42: {  	_ =	shalt  }
0x43: {  	_ =	shalt  }
0x44: {  	_ =	shalt  }
0x45: {  	_ =	shalt  }
0x46: {  	_ =	shalt  }
0x47: {  	_ =	shalt  }
0x48: {  	_ =	shalt  }
0x49: {  	_ =	shalt  }
0x4a: {  	_ =	shalt  }
0x4b: {  	_ =	shalt  }
0x4c: {  	_ =	shalt  }
0x4d: {  	_ =	shalt  }
0x4e: {  	_ =	shalt  }
0x4f: {  	_ =	shalt  }
0x50: {  	_ =	shalt  }
0x51: {  	_ =	shalt  }
0x52: {  	_ =	shalt  }
0x53: {  	_ =	shalt  }
0x54: {  	_ =	shalt  }
0x55: {  	_ =	shalt  }
0x56: {  	_ =	shalt  }
0x57: {  	_ =	shalt  }
0x58: {  	_ =	shalt  }
0x59: {  	_ =	shalt  }
0x5a: {  	_ =	shalt  }
0x5b: {  	_ =	shalt  }
0x5c: {  	_ =	shalt  }
0x5d: {  	_ =	shalt  }
0x5e: {  	_ =	shalt  }
0x5f: {  	_ =	shalt  }
0x60: {  	_ =	shalt  }
0x61: {  	_ =	shalt  }
0x62: {  	_ =	shalt  }
0x63: {  	_ =	shalt  }
0x64: {  	_ =	shalt  }
0x65: {  	_ =	shalt  }
0x66: {  	_ =	shalt  }
0x67: {  	_ =	shalt  }
0x68: {  	_ =	shalt  }
0x69: {  	_ =	shalt  }
0x6a: {  	_ =	shalt  }
0x6b: {  	_ =	shalt  }
0x6c: {  	_ =	shalt  }
0x6d: {  	_ =	shalt  }
0x6e: {  	_ =	shalt  }
0x6f: {  	_ =	shalt  }
0x70: {  	_ =	shalt  }
0x71: {  	_ =	shalt  }
0x72: {  	_ =	shalt  }
0x73: {  	_ =	shalt  }
0x74: {  	_ =	shalt  }
0x75: {  	_ =	shalt  }
0x76: {  	_ =	shalt  }
0x77: {  	_ =	shalt  }
0x78: {  	_ =	shalt  }
0x79: {  	_ =	shalt  }
0x7a: {  	_ =	shalt  }
0x7b: {  	_ =	shalt  }
0x7c: {  	_ =	shalt  }
0x7d: {  	_ =	shalt  }
0x7e: {  	_ =	shalt  }
0x7f: {  	_ =	shalt  }
0x80: {  	_ =	shalt  }
0x81: {  	_ =	shalt  }
0x82: {  	_ =	shalt  }
0x83: {  	_ =	shalt  }
0x84: {  	_ =	shalt  }
0x85: {  	_ =	shalt  }
0x86: {  	_ =	shalt  }
0x87: {  	_ =	shalt  }
.Lfunc_end0:
.L_simem_size_0:
called_computation.1_lowered:
.L_overlay_start_0:
0x88: {  	s2 =	sld [smem:$0x3FD9]  }
0x89: {  	s3 =	sld [smem:$0x3FFE];
	_ =	sdelay $0x1  }
0x8a: {  	s1 =	srdreg.scid  }
0x8b: {  	s0 =	sand.u32 $0x1, s1  }
0x8c: {  	s15 =	sshll.u32 s0, $0xA;
	s2 =	sadd.s32 s3, s2  }
0x8d: {  	s2 =	sadd.s32 s2, s15  }
0x8e: {  	[smem:$0x3FC0] =	sst s2  }
0x8f: {  	_ = 	snop  }
0x90: {  	s2 =	sld [smem:$0x3FD0];
	_ =	sdelay $0x2  }
0x91: {  	s16 =	simm.s32 $0xB;
	s4 =	simm.s32 $0x10  }
0x92: {  	[smem:s4], [sflag:s16] =	dma.local [hbm:s2], $0x1  }
0x93: {  	_ =	swait.eq [sflag:s16], $0x1  }
0x94: {  	[sflag:s16] =	ssyncset.done $0x0  }
0x95: {  	[sflag:s16] =	ssyncadd.s32 $0xFFFFFFFF  }
0x96: {  	s17 =	sld [smem:$0x10];
	(tm) =	ssettm $0x1  }
0x97: {  	s18 =	sld [smem:$0x3FFB];
	_ =	sdelay $0x3  }
0x98: {  	_ =	strace s18  }
0x99: {  	s2 =	sld [smem:$0x3FFC];
	_ =	sdelay $0x3  }
0x9a: {  	_ =	strace s2  }
0x9b: {  	s2 =	sld [smem:$0x3FFD];
	_ =	sdelay $0x3  }
0x9c: {  	_ =	strace s2  }
0x9d: {  	_ =	strace $0x8FFFFFFF  }
0x9e: {  	s19 =	sld [smem:$0x3FDB];
	_ =	sdelay $0x1  }
0x9f: {  	s20 =	simm.s32 $_scs_section_size  }
0xa0: {  	s5 =	simm.s32 $_size__tile_overlayer_lowered;
	s6 =	simm.s32 $_tile_overlayer_lowered  }
0xa1: {  	s7 =	simm.s32 $0x1BFF;
	s21 =	sshll.u32 s6, $0x1;
	s4 =	sadd.s32 s20, s19  }
0xa2: {  	s22 =	simm.s32 $0x0;
	s5 =	sshll.u32 s5, $0x1;
	s6 =	sadd.s32 s21, s4  }
0xa3: {  	[timem:s22], [sflag:s7] =	dma.local [hbm:s6], s5  }
0xa4: {  	_ =	swait.ge [sflag:s7], s5  }
0xa5: {  	s5 =	ssub.s32 $0x0, s5;
	[sflag:s7] =	ssyncset.done $0x0  }
0xa6: {  	[sflag:s7] =	ssyncadd.s32 s5;
	_ =	sdelay $0x1  }
0xa7: {  	s23 =	simm.s32 $0x1B8B  }
0xa8: {  	_ =	swait.ge [sflag:s23], $0x1  }
0xa9: {  	[sflag:s23] =	ssyncset.done $0x0  }
0xaa: {  	[sflag:s23] =	ssyncadd.s32 $0xFFFFFFFF  }
0xab: {  	s5 =	sld [smem:$0x0]  }
0xac: {  	s6 =	sand.u32 $0xFFFFFFFE, s1  }
0xad: {  	p0 =	sne.s32 s1, s6  }
0xae: {  	s6 =	sshll.u32 @p0 s6, $0xE  }
0xaf: {  	s6 =	sadd.s32 @p0 $0x11B8D, s6;
	s7 =	sshll.u32 @p0 s5, $0x11  }
0xb0: {  	s6 =	sor.u32 @p0 s7, s6  }
0xb1: {  	[sflag:s6] =	ssyncadd.remote.s32 @p0 $0x1;
	_ =	sdelay $0x1  }
0xb2: {  	s6 =	simm.s32 @p0 $0x1B8D  }
0xb3: {  	_ =	swait.eq @p0 [sflag:s6], $0x1  }
0xb4: {  	[sflag:s6] =	ssyncadd.s32 @p0 $0xFFFFFFFF  }
0xb5: {  	s7 =	sshll.u32 @!p0 s1, $0xE  }
0xb6: {  	s7 =	sor.u32 @!p0 $0x4000, s7;
	s6 =	simm.s32 @!p0 $0x1B8D  }
0xb7: {  	s5 =	sshll.u32 @!p0 s5, $0x11;
	s7 =	sadd.s32 @!p0 $0x11B8D, s7;
	_ =	swait.eq @!p0 [sflag:s6], $0x1  }
0xb8: {  	s5 =	sor.u32 @!p0 s5, s7;
	[sflag:s6] =	ssyncadd.s32 @!p0 $0xFFFFFFFF  }
0xb9: {  	s25 =	simm.s32 $0x1B8E;
	s24 =	sld [smem:$0x3FFE];
	[sflag:s5] =	ssyncadd.remote.s32 @!p0 $0x1  }
0xba: {  	s26 =	simm.s32 $execute0_lowered;
	[smem:$0x3FD2] =	sst s25  }
0xbb: {  	s6 =	sshll.u32 s26, $0x1;
	_ =	strace $0x80000049;
	[dreg:$0x1] =	wrdreg $0xFFFFFFFF  }
0xbc: {  	s28 =	simm.s32 $_size_execute0_lowered;
	s4 =	sadd.s32 s4, s6;
	[dreg:$0x0] =	wrdreg $0x0  }
0xbd: {  	s6 =	sshll.u32 s28, $0x1;
	[dreg:$0x2] =	wrdreg s4  }
0xbe: {  	[dreg:$0x3] =	wrdreg s6  }
0xbf: {  	[dreg:$0x4] =	wrdreg $0xC0  }
0xc0: {  	_ =	task [dreg:s22], $0x5FFFF  }
0xc1: {  	[dreg:$0x1] =	wrdreg $0xFFFFFFFF  }
0xc2: {  	[dreg:$0x0] =	wrdreg $0x60  }
0xc3: {  	[dreg:$0x2] =	wrdreg s17  }
0xc4: {  	[dreg:$0x3] =	wrdreg s24  }
0xc5: {  	[dreg:$0x4] =	wrdreg $0xA  }
0xc6: {  	_ =	task.clear_ibuf [dreg:s22], $0x5FFFF;
	_ =	strace $0x90000049  }
0xc7: {  	s29 =	simm.s32 $0xA;
	_ =	strace $0x8000004B  }
0xc8: {  	_ =	swait.ge [sflag:s29], $0x1  }
0xc9: {  	[sflag:s29] =	ssyncadd.s32 $0xFFFFFFFF  }
0xca: {  	_ =	strace $0x9000004B  }
0xcb: {  	_ =	sfence  }
0xcc: {  	s30 =	sld [smem:$0x0];
	_ =	sdelay $0x2  }
0xcd: {  	s31 =	sshll.u32 s1, $0xD;
	s1 =	sshrl.u32 s1, $0x2  }
0xce: {  	s4 =	sand.u32 $0x4000, s31;
	s1 =	sadd.s32 s1, s30  }
0xcf: {  	s0 =	sor.u32 s4, s0;
	s1 =	sshll.u32 s1, $0x11  }
0xd0: {  	s0 =	sor.u32 s1, s0  }
0xd1: {  	s0 =	sadd.s32 $0x8F2B, s0  }
0xd2: {  	[sflag:s0] =	ssyncadd.remote.s32 $0x1  }
0xd3: {  	_ =	sfence.sel $0xFFFF  }
0xd4: {  	[dreg:$0x0] =	wrdreg $0xFFFFFFFF;
	(pc) =	sbr.abs _section_cstart, $3  }
0xd5: {  	[dreg:$0x1] =	wrdreg $0xFFFFFFFF  }
0xd6: {  	_ =	task.clear_ibuf [dreg:s22], $0x2FFFF;
	_ =	strace $0x9FFFFFFF  }
0xd7: {  	(tm) =	ssettm $0x7FFFFFFF  }
tec
execute0_lowered:
.L_overlay_start_1:
0x0: {  	(tag) =	ssettag $0x1  }
0x1: {  	s2 =	rddreg [dreg:$0x0];
	s0 =	srdreg.scid  }
0x2: {  	s10 =	stileid.u32;
	s1 =	rddreg [dreg:$0x1]  }
0x3: {  	s3 =	simm.s32 $0x0;
	s12 =	simm.s32 $0x9;
	s13 =	simm.s32 $0x28  }
0x4: {  	s14 =	simm.s32 $0x1400;
	s15 =	simm.s32 $0x2800;
	s17 =	simm.s32 $0x3C00  }
0x5: {  	s19 =	simm.s32 $0x5000;
	s20 =	simm.s32 $0x1;
	s21 =	simm.s32 $0x2  }
0x6: {  	s28 =	simm.s32 $0xC8;
	s29 =	simm.s32 $0x7;
	s30 =	simm.s32 $0x8  }
0x7: {  	s0 =	sand.u32 $0x1, s0;
	s4 =	sshll.u32 s10, $0x1;
	s10 =	smul.u32 $0x27100, s10  }
0x8: {  	s5 =	sor.u32 s0, s4;
	s7 =	ssub.s32 $0x2, s0;
	s0 =	smul.u32 $0x13880, s0  }
0x9: {  	s31 =	simm.s32 $0x0;
	[smem:$0x7FF] =	sst s3;
	s6 =	smul.u32 $0x1388, s5  }
0xa: {  	_ =	strace $0x8000004A;
	s8 =	smul.u32 $0x9C400, s5;
	s9 =	sshrl.u32 s7, $0x1  }
0xb: {  	s25 =	smul.u32 $0x13880, s5;
	s7 =	ssub.s32 s7, s9;
	s22 =	sshrl.u32 s6, $0x3  }
0xc: {  	s8 =	sshrl.u32 s8, $0x3;
	s23 =	sshll.u32 s6, $0x4;
	s6 =	smax.u32 s7, $0x1  }
0xd: {  	s4 =	sadd.s32 s22, s1;
	s1 =	sadd.s32 $0x27DC00, s1;
	s22 =	simm.s32 $0x3  }
.Ltmp0:
0xe: {  	s4 =	sadd.s32 $0x7C00, s4;
	s24 =	sadd.s32 s1, s8;
	(pc) =	sbr.rel .LBB2_1-.Ltmp0, $4  }
0xf: {  	s7 =	sadd.s32 s1, s25;
	s26 =	sadd.s32 s1, s23;
	s1 =	sadd.s32 s10, s1  }
0x10: {  	s23 =	simm.s32 $0x5;
	s25 =	simm.s32 $0x4;
	s5 =	sadd.s32 $0x13600, s24  }
0x11: {  	s8 =	sadd.s32 $0x280, s26;
	s9 =	sadd.s32 $0x500, s7;
	s10 =	sadd.s32 $0x780, s7  }
0x12: {  	s11 =	sadd.s32 s0, s1;
	s24 =	simm.s32 $0xA0;
	s26 =	simm.s32 $0x6  }
.LBB2_4:
0x13: {  	_ =	swait.ge [sflag:s29], $0x1400  }
0x14: {  	[sflag:s29] =	ssyncset.done $0x0  }
0x15: {  	[sflag:s29] =	ssyncadd.s32 $0xFFFFEC00  }
0x16: {  	_ =	swait.ge [sflag:s30], $0x1400  }
0x17: {  	[sflag:s30] =	ssyncset.done $0x0  }
0x18: {  	[sflag:s30] =	ssyncadd.s32 $0xFFFFEC00  }
0x19: {  	s31 =	sadd.s32 $0x1, s31;
	_ =	swait.ge [sflag:s20], $0x1400  }
0x1a: {  	p0 =	sne.s32 s31, s6;
	[sflag:s20] =	ssyncset.done $0x0  }
.Ltmp1:
0x1b: {  	[sflag:s20] =	ssyncadd.s32 $0xFFFFEC00;
	(pc) =	sbr.rel @!p0 .LBB2_5-.Ltmp1, $4  }
0x1c: {  	[hbm4b:s5+s3] =	stream.linear.scatter [tilespmem:s14], [sflag:$0x5], $0x1400, $0x38;
	[tilespmem:$0x6400] =	vst v63  }
0x1d: {  	_ =	swait.ge [sflag:s23], $0x1400  }
0x1e: {  	[sflag:s23] =	ssyncset.done $0x0  }
0x1f: {  	[sflag:s23] =	ssyncadd.s32 $0xFFFFEC00  }
.LBB2_1:
0x20: {  	[tilespmem:s3], [sflag:$0x9] =	stream.linear.gather [hbm4b:s4+s3], $0x1388, $0x38;
	[tilespmem:$0x6400] =	vst v63  }
0x21: {  	_ =	swait.ge [sflag:s12], $0x1388  }
0x22: {  	[sflag:s12] =	ssyncset.done $0x0  }
0x23: {  	[sflag:s12] =	ssyncadd.s32 $0xFFFFEC78  }
0x24: {  	[tilespmem:s14], [sflag:$0x1] =	stream.indirect.gather [hbm4b:s2+s13], $0x80, s3, s13, $0xb8;
	[tilespmem:$0x6400] =	vst v63  }
0x25: {  	_ = 	snop  }
0x26: {  	[tilespmem:s15], [sflag:$0x2] =	stream.indirect.gather [hbm4b:s2+s13], $0x80, s13, s13, $0xb8;
	[tilespmem:$0x6400] =	vst v63  }
0x27: {  	s0 =	simm.s32 $0x50  }
0x28: {  	[tilespmem:s17], [sflag:$0x3] =	stream.indirect.gather [hbm4b:s2+s13], $0x80, s0, s13, $0xb8;
	[tilespmem:$0x6400] =	vst v63  }
0x29: {  	s18 =	simm.s32 $0x78  }
0x2a: {  	[tilespmem:s19], [sflag:$0x4] =	stream.indirect.gather [hbm4b:s2+s13], $0x80, s18, s13, $0xb8;
	[tilespmem:$0x6400] =	vst v63  }
0x2b: {  	_ =	swait.ge [sflag:s20], $0x1400  }
0x2c: {  	[sflag:s20] =	ssyncset.done $0x0  }
0x2d: {  	[sflag:s20] =	ssyncadd.s32 $0xFFFFEC00  }
0x2e: {  	[hbm4b:s7+s3] =	stream.linear.scatter [tilespmem:s14], [sflag:$0x5], $0x1400, $0x38;
	[tilespmem:$0x6400] =	vst v63  }
0x2f: {  	_ =	swait.ge [sflag:s21], $0x1400  }
0x30: {  	[sflag:s21] =	ssyncset.done $0x0  }
0x31: {  	[sflag:s21] =	ssyncadd.s32 $0xFFFFEC00  }
0x32: {  	[hbm4b:s8+s3] =	stream.linear.scatter [tilespmem:s15], [sflag:$0x6], $0x1400, $0x38;
	[tilespmem:$0x6400] =	vst v63  }
0x33: {  	_ =	swait.ge [sflag:s22], $0x1400  }
0x34: {  	[sflag:s22] =	ssyncset.done $0x0  }
0x35: {  	[sflag:s22] =	ssyncadd.s32 $0xFFFFEC00  }
0x36: {  	[hbm4b:s9+s3] =	stream.linear.scatter [tilespmem:s17], [sflag:$0x7], $0x1400, $0x38;
	[tilespmem:$0x6400] =	vst v63  }
0x37: {  	_ =	swait.ge [sflag:s23], $0x1400  }
0x38: {  	[sflag:s23] =	ssyncset.done $0x0  }
0x39: {  	[sflag:s23] =	ssyncadd.s32 $0xFFFFEC00  }
0x3a: {  	[tilespmem:s14], [sflag:$0x1] =	stream.indirect.gather [hbm4b:s2+s13], $0x80, s24, s13, $0xb8;
	[tilespmem:$0x6400] =	vst v63  }
0x3b: {  	_ =	swait.ge [sflag:s25], $0x1400  }
0x3c: {  	[sflag:s25] =	ssyncset.done $0x0  }
0x3d: {  	[sflag:s25] =	ssyncadd.s32 $0xFFFFEC00  }
0x3e: {  	[hbm4b:s10+s3] =	stream.linear.scatter [tilespmem:s19], [sflag:$0x8], $0x1400, $0x38;
	[tilespmem:$0x6400] =	vst v63  }
0x3f: {  	_ =	swait.ge [sflag:s26], $0x1400  }
0x40: {  	[sflag:s26] =	ssyncset.done $0x0  }
0x41: {  	s1 =	simm.s32 $0x168;
	s0 =	simm.s32 $0x0;
	[sflag:s26] =	ssyncadd.s32 $0xFFFFEC00  }
0x42: {  	[tilespmem:s15], [sflag:$0x2] =	stream.indirect.gather [hbm4b:s2+s13], $0x80, s28, s13, $0xb8;
	[tilespmem:$0x6400] =	vst v63  }
.LBB2_2:
0x43: {  	_ =	swait.ge [sflag:s20], $0x1400  }
0x44: {  	s16 =	sadd.s32 s0, s11;
	[sflag:s20] =	ssyncset.done $0x0  }
0x45: {  	s18 =	sadd.s32 $0xA00, s16;
	[sflag:s20] =	ssyncadd.s32 $0xFFFFEC00  }
0x46: {  	[hbm4b:s18+s3] =	stream.linear.scatter [tilespmem:s14], [sflag:$0x5], $0x1400, $0x38;
	[tilespmem:$0x6400] =	vst v63  }
0x47: {  	_ =	swait.ge [sflag:s29], $0x1400  }
0x48: {  	[sflag:s29] =	ssyncset.done $0x0  }
0x49: {  	s18 =	sadd.s32 $0xFFFFFF88, s1;
	[sflag:s29] =	ssyncadd.s32 $0xFFFFEC00  }
0x4a: {  	[tilespmem:s17], [sflag:$0x3] =	stream.indirect.gather [hbm4b:s2+s13], $0x80, s18, s13, $0xb8;
	[tilespmem:$0x6400] =	vst v63  }
0x4b: {  	_ =	swait.ge [sflag:s21], $0x1400  }
0x4c: {  	[sflag:s21] =	ssyncset.done $0x0  }
0x4d: {  	s18 =	sadd.s32 $0xC80, s16;
	[sflag:s21] =	ssyncadd.s32 $0xFFFFEC00  }
0x4e: {  	[hbm4b:s18+s3] =	stream.linear.scatter [tilespmem:s15], [sflag:$0x6], $0x1400, $0x38;
	[tilespmem:$0x6400] =	vst v63  }
0x4f: {  	_ =	swait.ge [sflag:s30], $0x1400  }
0x50: {  	[sflag:s30] =	ssyncset.done $0x0  }
0x51: {  	s18 =	sadd.s32 $0xFFFFFFB0, s1;
	[sflag:s30] =	ssyncadd.s32 $0xFFFFEC00  }
0x52: {  	[tilespmem:s19], [sflag:$0x4] =	stream.indirect.gather [hbm4b:s2+s13], $0x80, s18, s13, $0xb8;
	[tilespmem:$0x6400] =	vst v63  }
0x53: {  	_ =	swait.ge [sflag:s22], $0x1400  }
0x54: {  	[sflag:s22] =	ssyncset.done $0x0  }
0x55: {  	s18 =	sadd.s32 $0xF00, s16;
	[sflag:s22] =	ssyncadd.s32 $0xFFFFEC00  }
0x56: {  	[hbm4b:s18+s3] =	stream.linear.scatter [tilespmem:s17], [sflag:$0x7], $0x1400, $0x38;
	[tilespmem:$0x6400] =	vst v63  }
0x57: {  	_ =	swait.ge [sflag:s23], $0x1400  }
0x58: {  	[sflag:s23] =	ssyncset.done $0x0  }
0x59: {  	s18 =	sadd.s32 $0xFFFFFFD8, s1;
	[sflag:s23] =	ssyncadd.s32 $0xFFFFEC00  }
0x5a: {  	[tilespmem:s14], [sflag:$0x1] =	stream.indirect.gather [hbm4b:s2+s13], $0x80, s18, s13, $0xb8;
	[tilespmem:$0x6400] =	vst v63  }
0x5b: {  	_ =	swait.ge [sflag:s25], $0x1400  }
0x5c: {  	p0 =	seq.s32 s0, $0x12200;
	[sflag:s25] =	ssyncset.done $0x0  }
.Ltmp2:
0x5d: {  	s16 =	sadd.s32 $0x1180, s16;
	[sflag:s25] =	ssyncadd.s32 $0xFFFFEC00;
	(pc) =	sbr.rel @p0 .LBB2_4-.Ltmp2, $4  }
0x5e: {  	[hbm4b:s16+s3] =	stream.linear.scatter [tilespmem:s19], [sflag:$0x8], $0x1400, $0x38;
	[tilespmem:$0x6400] =	vst v63  }
0x5f: {  	_ =	swait.ge [sflag:s26], $0x1400  }
0x60: {  	[sflag:s26] =	ssyncset.done $0x0  }
0x61: {  	[sflag:s26] =	ssyncadd.s32 $0xFFFFEC00  }
.Ltmp3:
0x62: {  	(pc) =	sbr.rel .LBB2_2-.Ltmp3, $3  }
0x63: {  	_ =	sdelay $0x1  }
0x64: {  	[tilespmem:s15], [sflag:$0x2] =	stream.indirect.gather [hbm4b:s2+s13], $0x80, s1, s13, $0xb8;
	[tilespmem:$0x6400] =	vst v63  }
0x65: {  	s0 =	sadd.s32 $0xA00, s0;
	s1 =	sadd.s32 $0xA0, s1  }
.LBB2_5:
0x66: {  	_ =	sfence.sel $0x180000  }
0x67: {  	[bflag:$0x0] =	sbarrier.arrive $0xFFFF  }
0x68: {  	_ =	strace $0x9000004A  }
0x69: {  	s0 =	stileid.u32;
	[bflag:$0x2] =	sbarrier.arrive $0xFFFF  }
0x6a: {  	p0 =	sne.s32 s0, $0x0;
	s0 =	rddreg [dreg:$0x2]  }
0x6b: {  	s0 =	sadd.s32 @!p0 $0x100000, s0  }
0x6c: {  	[sflag:s0] =	ssyncadd.tile.s32 @!p0 $0x1;
	_ =	shalt  }
.Lfunc_end2:
_tile_overlayer_lowered:
.L_overlay_start_2:
0x6d: {  	(tag) =	ssettag $0x2  }
0x6e: {  	s0 =	rddreg [dreg:$0x0];
	s2 =	stileid.u32  }
0x6f: {  	s1 =	rddreg [dreg:$0x1];
	p0 =	sne.s32 s2, $0x0  }
0x70: {  	s3 =	rddreg [dreg:$0x2];
	[bflag:$0x3] =	sbarrier.arrive $0xFFFF;
	s2 =	simm.s32 @!p0 $0x1C09  }
0x71: {  	[timem:s3], [sflag:s2] =	dma.local @!p0 [hbm:s0], s1  }
0x72: {  	s0 =	simm.s32 @!p0 $0x9  }
0x73: {  	_ =	swait.ge @!p0 [sflag:s0], s1  }
0x74: {  	s1 =	ssub.s32 @!p0 $0x0, s1;
	[sflag:s0] =	ssyncset.done @!p0 $0x0  }
0x75: {  	[sflag:s0] =	ssyncadd.s32 @!p0 s1  }
0x76: {  	[bflag:$0x3] =	sbarrier.arrive $0xFFFF  }
0x77: {  	_ =	shalt  }

// kernel: _run.8.cloned.1.call-start
scs
__scs_entry_jumppad:
0x0: {  	(pc) =	sbr.rel $0x88, $3  }
0x1: {  	(tag) =	ssettag $0x0;
	lr =	simm.s32 $0x1  }
0x2: {  	[smem:$0x3F99] =	sst lr;
	_ =	strace $0xD0000000  }
0x3: {  	_ = 	snop  }
0x4: {  	_ = 	snop  }
0x5: {  	_ = 	snop  }
0x6: {  	_ = 	snop  }
0x7: {  	_ = 	snop  }
__scs_overlays_trampoline_lowered:
0x8: {  	[smem:$0x3FA8] =	sst s0  }
0x9: {  	[smem:$0x3FA9] =	sst s1  }
0xa: {  	[smem:$0x3FAA] =	sst s2  }
0xb: {  	[smem:$0x3FAB] =	sst s3  }
0xc: {  	[smem:$0x3FAC] =	sst s4  }
0xd: {  	[smem:$0x3FAD] =	sst s5  }
0xe: {  	[smem:$0x3FAE] =	sst s6  }
0xf: {  	[smem:$0x3FAF] =	sst s7  }
0x10: {  	[smem:$0x3FB0] =	sst s8  }
0x11: {  	[smem:$0x3FB1] =	sst s9;
	s0 =	simm.s32 @!p0 $0x0  }
0x12: {  	s1 =	sld [smem:$0x3F97];
	s0 =	simm.s32 @p0 $0x1  }
0x13: {  	[smem:$0x3FB2] =	sst s0;
	s0 =	simm.s32 @!p1 $0x0  }
0x14: {  	s2 =	sld [smem:$0x3F96];
	s0 =	simm.s32 @p1 $0x1  }
0x15: {  	[smem:$0x3FB3] =	sst s0;
	s0 =	simm.s32 @!p2 $0x0  }
0x16: {  	s3 =	sld [smem:$0x3FDB];
	s0 =	simm.s32 @p2 $0x1  }
0x17: {  	s4 =	simm.s32 $0x1BF5;
	[smem:$0x3FB5] =	sst s0  }
0x18: {  	s0 =	sld [smem:$0x3F98];
	_ =	swait.ge [sflag:s4], $0x0  }
0x19: {  	s7 =	sld [smem:$0x3F99]  }
0x1a: {  	s8 =	sadd.s32 $0xFFFFE003, lr  }
0x1b: {  	s9 =	sadd.s32 $0xFFFFFEF7, lr;
	s5 =	simm.s32 $0xFFFFFFFF;
	p2 =	slt.u32 s8, $0xFFFFF086  }
0x1c: {  	p1 =	slt.u32 s9, $0xF7A;
	s5 =	simm.s32 @!p2 $0x0  }
0x1d: {  	s5 =	simm.s32 @p1 $0x1;
	p0 =	seq.s32 s7, s2  }
0x1e: {  	s7 =	smul.u32 @!p0 $0xF7A, s2;
	p2 =	seq.s32 @!p0 s5, $0x0  }
0x1f: {  	s9 =	smul.u32 $0xF7A, s1;
	s8 =	simm.s32 @!p0 $0x1BF5;
	p2 =	por !p2, p0  }
0x20: {  	[sflag:s8] =	ssyncset.s32 @!p0 $0xFFFFF086;
	s6 =	sadd.s32 @!p0 s3, s7;
	s7 =	simm.s32 @!p0 $0x108  }
0x21: {  	s3 =	sadd.s32 s3, s9;
	s6 =	sadd.s32 @!p0 $0x88, s6;
	s7 =	simm.s32 @p2 $0x1082  }
0x22: {  	[simem:s7], [sflag:s8] =	dma.local @!p0 [hbm:s6], $0xF7A  }
0x23: {  	s9 =	sor.u32 $0xD0000000, s2;
	s6 =	simm.s32 $0x108;
	_ =	swait.ge @!p0 [sflag:s8], $0x0  }
0x24: {  	s3 =	sadd.s32 $0x88, s3;
	s6 =	simm.s32 @!p1 $0x1082;
	[sflag:s4] =	ssyncset.s32 $0xFFFFF086  }
0x25: {  	[simem:s6], [sflag:s4] =	dma.local [hbm:s3], $0xF7A  }
0x26: {  	[smem:$0x3F99] =	sst s1;
	(tag) =	ssettag s2;
	_ =	strace s9  }
0x27: {  	s1 =	sld [smem:$0x3FA9]  }
0x28: {  	s2 =	sld [smem:$0x3FAA]  }
0x29: {  	s4 =	sld [smem:$0x3FAC]  }
0x2a: {  	p0 =	seq.s32 s5, $0x0;
	s5 =	sld [smem:$0x3FAD]  }
0x2b: {  	s6 =	sld [smem:$0x3FAE]  }
0x2c: {  	s7 =	sld [smem:$0x3FAF]  }
0x2d: {  	s3 =	simm.s32 $0x108;
	s8 =	sld [smem:$0x3FB0]  }
0x2e: {  	s3 =	simm.s32 @!p0 $0x1082;
	s9 =	sld [smem:$0x3FB1]  }
0x2f: {  	lr =	sadd.s32 s0, s3;
	s0 =	sld [smem:$0x3FA8]  }
0x30: {  	s3 =	sld [smem:$0x3FAB]  }
0x31: {  	[smem:$0x3FB4] =	sst s10  }
0x32: {  	s10 =	sld [smem:$0x3FB2];
	_ =	sdelay $0x3  }
0x33: {  	p0 =	seq.s32 s10, $0x1;
	s10 =	sld [smem:$0x3FB4];
	_ =	sdelay $0x3  }
0x34: {  	[smem:$0x3FB4] =	sst s10  }
0x35: {  	s10 =	sld [smem:$0x3FB3];
	_ =	sdelay $0x3  }
0x36: {  	p1 =	seq.s32 s10, $0x1;
	s10 =	sld [smem:$0x3FB4];
	_ =	sdelay $0x3  }
0x37: {  	[smem:$0x3FB4] =	sst s10  }
0x38: {  	s10 =	sld [smem:$0x3FB5]  }
0x39: {  	_ = 	snop;
	(pc) =	sbr.ind lr, $3  }
0x3a: {  	_ = 	snop  }
0x3b: {  	_ = 	snop  }
0x3c: {  	p2 =	seq.s32 s10, $0x1;
	s10 =	sld [smem:$0x3FB4]  }
0x3d: {  	_ =	shalt  }
0x3e: {  	_ =	shalt  }
0x3f: {  	_ =	shalt  }
0x40: {  	_ =	shalt  }
0x41: {  	_ =	shalt  }
0x42: {  	_ =	shalt  }
0x43: {  	_ =	shalt  }
0x44: {  	_ =	shalt  }
0x45: {  	_ =	shalt  }
0x46: {  	_ =	shalt  }
0x47: {  	_ =	shalt  }
0x48: {  	_ =	shalt  }
0x49: {  	_ =	shalt  }
0x4a: {  	_ =	shalt  }
0x4b: {  	_ =	shalt  }
0x4c: {  	_ =	shalt  }
0x4d: {  	_ =	shalt  }
0x4e: {  	_ =	shalt  }
0x4f: {  	_ =	shalt  }
0x50: {  	_ =	shalt  }
0x51: {  	_ =	shalt  }
0x52: {  	_ =	shalt  }
0x53: {  	_ =	shalt  }
0x54: {  	_ =	shalt  }
0x55: {  	_ =	shalt  }
0x56: {  	_ =	shalt  }
0x57: {  	_ =	shalt  }
0x58: {  	_ =	shalt  }
0x59: {  	_ =	shalt  }
0x5a: {  	_ =	shalt  }
0x5b: {  	_ =	shalt  }
0x5c: {  	_ =	shalt  }
0x5d: {  	_ =	shalt  }
0x5e: {  	_ =	shalt  }
0x5f: {  	_ =	shalt  }
0x60: {  	_ =	shalt  }
0x61: {  	_ =	shalt  }
0x62: {  	_ =	shalt  }
0x63: {  	_ =	shalt  }
0x64: {  	_ =	shalt  }
0x65: {  	_ =	shalt  }
0x66: {  	_ =	shalt  }
0x67: {  	_ =	shalt  }
0x68: {  	_ =	shalt  }
0x69: {  	_ =	shalt  }
0x6a: {  	_ =	shalt  }
0x6b: {  	_ =	shalt  }
0x6c: {  	_ =	shalt  }
0x6d: {  	_ =	shalt  }
0x6e: {  	_ =	shalt  }
0x6f: {  	_ =	shalt  }
0x70: {  	_ =	shalt  }
0x71: {  	_ =	shalt  }
0x72: {  	_ =	shalt  }
0x73: {  	_ =	shalt  }
0x74: {  	_ =	shalt  }
0x75: {  	_ =	shalt  }
0x76: {  	_ =	shalt  }
0x77: {  	_ =	shalt  }
0x78: {  	_ =	shalt  }
0x79: {  	_ =	shalt  }
0x7a: {  	_ =	shalt  }
0x7b: {  	_ =	shalt  }
0x7c: {  	_ =	shalt  }
0x7d: {  	_ =	shalt  }
0x7e: {  	_ =	shalt  }
0x7f: {  	_ =	shalt  }
0x80: {  	_ =	shalt  }
0x81: {  	_ =	shalt  }
0x82: {  	_ =	shalt  }
0x83: {  	_ =	shalt  }
0x84: {  	_ =	shalt  }
0x85: {  	_ =	shalt  }
0x86: {  	_ =	shalt  }
0x87: {  	_ =	shalt  }
.Lfunc_end0:
.L_simem_size_0:
called_computation_lowered:
.L_overlay_start_0:
0x88: {  	s2 =	sld [smem:$0x3FD9]  }
0x89: {  	s3 =	sld [smem:$0x3FFE];
	_ =	sdelay $0x1  }
0x8a: {  	s1 =	srdreg.scid  }
0x8b: {  	s0 =	sand.u32 $0x1, s1  }
0x8c: {  	s14 =	sshll.u32 s0, $0xA;
	s2 =	sadd.s32 s3, s2  }
0x8d: {  	s2 =	sadd.s32 s2, s14  }
0x8e: {  	[smem:$0x3FC0] =	sst s2  }
0x8f: {  	_ = 	snop  }
0x90: {  	s2 =	sld [smem:$0x3FD0];
	_ =	sdelay $0x2  }
0x91: {  	s15 =	simm.s32 $0xB;
	s4 =	simm.s32 $0x10  }
0x92: {  	[smem:s4], [sflag:s15] =	dma.local [hbm:s2], $0x1  }
0x93: {  	_ =	swait.eq [sflag:s15], $0x1  }
0x94: {  	[sflag:s15] =	ssyncset.done $0x0  }
0x95: {  	[sflag:s15] =	ssyncadd.s32 $0xFFFFFFFF  }
0x96: {  	s16 =	sld [smem:$0x10];
	(tm) =	ssettm $0x1  }
0x97: {  	s17 =	sld [smem:$0x3FFB];
	_ =	sdelay $0x3  }
0x98: {  	_ =	strace s17  }
0x99: {  	s3 =	sld [smem:$0x3FFC];
	_ =	sdelay $0x3  }
0x9a: {  	_ =	strace s3  }
0x9b: {  	s3 =	sld [smem:$0x3FFD];
	_ =	sdelay $0x3  }
0x9c: {  	_ =	strace s3  }
0x9d: {  	_ =	strace $0x8FFFFFFF  }
0x9e: {  	s18 =	sld [smem:$0x3FDB];
	_ =	sdelay $0x1  }
0x9f: {  	s19 =	simm.s32 $_scs_section_size  }
0xa0: {  	s5 =	simm.s32 $_size__tile_overlayer_lowered;
	s6 =	simm.s32 $_tile_overlayer_lowered  }
0xa1: {  	s22 =	simm.s32 $0x1BFF;
	s21 =	sshll.u32 s6, $0x1;
	s3 =	sadd.s32 s19, s18  }
0xa2: {  	s7 =	simm.s32 $0x0;
	s20 =	sshll.u32 s5, $0x1;
	s5 =	sadd.s32 s21, s3  }
0xa3: {  	[timem:s7], [sflag:s22] =	dma.local [hbm:s5], s20  }
0xa4: {  	_ =	swait.ge [sflag:s22], s20  }
0xa5: {  	s4 =	ssub.s32 $0x0, s20;
	[sflag:s22] =	ssyncset.done $0x0  }
0xa6: {  	[sflag:s22] =	ssyncadd.s32 s4;
	_ =	sdelay $0x1  }
0xa7: {  	s23 =	simm.s32 $0x1B8B  }
0xa8: {  	_ =	swait.ge [sflag:s23], $0x1  }
0xa9: {  	[sflag:s23] =	ssyncset.done $0x0  }
0xaa: {  	s25 =	simm.s32 $0x1B8E;
	s24 =	sld [smem:$0x3FFE];
	[sflag:s23] =	ssyncadd.s32 $0xFFFFFFFF  }
0xab: {  	s26 =	simm.s32 $execute0_lowered;
	[smem:$0x3FD2] =	sst s25  }
0xac: {  	s5 =	sshll.u32 s26, $0x1;
	_ =	strace $0x80000046;
	[dreg:$0x1] =	wrdreg $0xFFFFFFFF  }
0xad: {  	s28 =	simm.s32 $_size_execute0_lowered;
	s3 =	sadd.s32 s3, s5;
	[dreg:$0x0] =	wrdreg $0x0  }
0xae: {  	s5 =	sshll.u32 s28, $0x1;
	[dreg:$0x2] =	wrdreg s3  }
0xaf: {  	[dreg:$0x3] =	wrdreg s5  }
0xb0: {  	[dreg:$0x4] =	wrdreg $0xC0  }
0xb1: {  	_ =	task [dreg:s7], $0x5FFFF  }
0xb2: {  	[dreg:$0x1] =	wrdreg $0xFFFFFFFF  }
0xb3: {  	[dreg:$0x0] =	wrdreg $0x60  }
0xb4: {  	[dreg:$0x2] =	wrdreg s16  }
0xb5: {  	[dreg:$0x3] =	wrdreg s24  }
0xb6: {  	[dreg:$0x4] =	wrdreg $0x9  }
0xb7: {  	_ =	task.clear_ibuf [dreg:s7], $0x5FFFF;
	_ =	strace $0x90000046  }
0xb8: {  	s29 =	simm.s32 $0x9;
	_ =	strace $0x80000048  }
0xb9: {  	_ =	swait.ge [sflag:s29], $0x1  }
0xba: {  	[sflag:s29] =	ssyncadd.s32 $0xFFFFFFFF  }
0xbb: {  	_ =	strace $0x90000048  }
0xbc: {  	_ =	sfence  }
0xbd: {  	s30 =	sld [smem:$0x0];
	_ =	sdelay $0x2  }
0xbe: {  	s31 =	sshll.u32 s1, $0xD;
	s1 =	sshrl.u32 s1, $0x2  }
0xbf: {  	s3 =	sand.u32 $0x4000, s31;
	s1 =	sadd.s32 s1, s30  }
0xc0: {  	s0 =	sor.u32 s3, s0;
	s1 =	sshll.u32 s1, $0x11  }
0xc1: {  	s0 =	sor.u32 s1, s0  }
0xc2: {  	s0 =	sadd.s32 $0x8F2B, s0  }
0xc3: {  	[sflag:s0] =	ssyncadd.remote.s32 $0x1  }
0xc4: {  	_ =	sfence.sel $0xFFFF  }
0xc5: {  	[dreg:$0x0] =	wrdreg $0xFFFFFFFF;
	(pc) =	sbr.abs _section_cstart, $3  }
0xc6: {  	[dreg:$0x1] =	wrdreg $0xFFFFFFFF  }
0xc7: {  	_ =	task.clear_ibuf [dreg:s7], $0x2FFFF;
	_ =	strace $0x9FFFFFFF  }
0xc8: {  	(tm) =	ssettm $0x7FFFFFFF  }
0xc9: {  	_ =	shalt  }
tec
execute0_lowered:
.L_overlay_start_1:
0x0: {  	(tag) =	ssettag $0x1  }
0x1: {  	s2 =	rddreg [dreg:$0x0];
	s0 =	srdreg.scid  }
0x2: {  	s10 =	stileid.u32;
	s1 =	rddreg [dreg:$0x1]  }
0x3: {  	s3 =	simm.s32 $0x0;
	s12 =	simm.s32 $0x9;
	s13 =	simm.s32 $0x28  }
0x4: {  	s14 =	simm.s32 $0x1400;
	s15 =	simm.s32 $0x2800;
	s17 =	simm.s32 $0x3C00  }
0x5: {  	s19 =	simm.s32 $0x5000;
	s20 =	simm.s32 $0x1;
	s21 =	simm.s32 $0x2  }
0x6: {  	s28 =	simm.s32 $0xC8;
	s29 =	simm.s32 $0x7;
	s30 =	simm.s32 $0x8  }
0x7: {  	s0 =	sand.u32 $0x1, s0;
	s4 =	sshll.u32 s10, $0x1;
	s10 =	smul.u32 $0x27100, s10  }
0x8: {  	s5 =	sor.u32 s0, s4;
	s7 =	ssub.s32 $0x2, s0;
	s0 =	smul.u32 $0x13880, s0  }
0x9: {  	s31 =	simm.s32 $0x0;
	[smem:$0x7FF] =	sst s3;
	s6 =	smul.u32 $0x1388, s5  }
0xa: {  	_ =	strace $0x80000047;
	s8 =	smul.u32 $0x9C400, s5;
	s9 =	sshrl.u32 s7, $0x1  }
0xb: {  	s25 =	smul.u32 $0x13880, s5;
	s7 =	ssub.s32 s7, s9;
	s22 =	sshrl.u32 s6, $0x3  }
0xc: {  	s8 =	sshrl.u32 s8, $0x3;
	s23 =	sshll.u32 s6, $0x4;
	s6 =	smax.u32 s7, $0x1  }
0xd: {  	s4 =	sadd.s32 s22, s1;
	s1 =	sadd.s32 $0xCC00, s1;
	s22 =	simm.s32 $0x3  }
.Ltmp0:
0xe: {  	s4 =	sadd.s32 $0x2C00, s4;
	s24 =	sadd.s32 s1, s8;
	(pc) =	sbr.rel .LBB2_1-.Ltmp0, $4  }
0xf: {  	s7 =	sadd.s32 s1, s25;
	s26 =	sadd.s32 s1, s23;
	s1 =	sadd.s32 s10, s1  }
0x10: {  	s23 =	simm.s32 $0x5;
	s25 =	simm.s32 $0x4;
	s5 =	sadd.s32 $0x13600, s24  }
0x11: {  	s8 =	sadd.s32 $0x280, s26;
	s9 =	sadd.s32 $0x500, s7;
	s10 =	sadd.s32 $0x780, s7  }
0x12: {  	s11 =	sadd.s32 s0, s1;
	s24 =	simm.s32 $0xA0;
	s26 =	simm.s32 $0x6  }
.LBB2_4:
0x13: {  	_ =	swait.ge [sflag:s29], $0x1400  }
0x14: {  	[sflag:s29] =	ssyncset.done $0x0  }
0x15: {  	[sflag:s29] =	ssyncadd.s32 $0xFFFFEC00  }
0x16: {  	_ =	swait.ge [sflag:s30], $0x1400  }
0x17: {  	[sflag:s30] =	ssyncset.done $0x0  }
0x18: {  	[sflag:s30] =	ssyncadd.s32 $0xFFFFEC00  }
0x19: {  	s31 =	sadd.s32 $0x1, s31;
	_ =	swait.ge [sflag:s20], $0x1400  }
0x1a: {  	p0 =	sne.s32 s31, s6;
	[sflag:s20] =	ssyncset.done $0x0  }
.Ltmp1:
0x1b: {  	[sflag:s20] =	ssyncadd.s32 $0xFFFFEC00;
	(pc) =	sbr.rel @!p0 .LBB2_5-.Ltmp1, $4  }
0x1c: {  	[hbm4b:s5+s3] =	stream.linear.scatter [tilespmem:s14], [sflag:$0x5], $0x1400, $0x38;
	[tilespmem:$0x6400] =	vst v63  }
0x1d: {  	_ =	swait.ge [sflag:s23], $0x1400  }
0x1e: {  	[sflag:s23] =	ssyncset.done $0x0  }
0x1f: {  	[sflag:s23] =	ssyncadd.s32 $0xFFFFEC00  }
.LBB2_1:
0x20: {  	[tilespmem:s3], [sflag:$0x9] =	stream.linear.gather [hbm4b:s4+s3], $0x1388, $0x38;
	[tilespmem:$0x6400] =	vst v63  }
0x21: {  	_ =	swait.ge [sflag:s12], $0x1388  }
0x22: {  	[sflag:s12] =	ssyncset.done $0x0  }
0x23: {  	[sflag:s12] =	ssyncadd.s32 $0xFFFFEC78  }
0x24: {  	[tilespmem:s14], [sflag:$0x1] =	stream.indirect.gather [hbm4b:s2+s13], $0x80, s3, s13, $0xb8;
	[tilespmem:$0x6400] =	vst v63  }
0x25: {  	_ = 	snop  }
0x26: {  	[tilespmem:s15], [sflag:$0x2] =	stream.indirect.gather [hbm4b:s2+s13], $0x80, s13, s13, $0xb8;
	[tilespmem:$0x6400] =	vst v63  }
0x27: {  	s0 =	simm.s32 $0x50  }
0x28: {  	[tilespmem:s17], [sflag:$0x3] =	stream.indirect.gather [hbm4b:s2+s13], $0x80, s0, s13, $0xb8;
	[tilespmem:$0x6400] =	vst v63  }
0x29: {  	s18 =	simm.s32 $0x78  }
0x2a: {  	[tilespmem:s19], [sflag:$0x4] =	stream.indirect.gather [hbm4b:s2+s13], $0x80, s18, s13, $0xb8;
	[tilespmem:$0x6400] =	vst v63  }
0x2b: {  	_ =	swait.ge [sflag:s20], $0x1400  }
0x2c: {  	[sflag:s20] =	ssyncset.done $0x0  }
0x2d: {  	[sflag:s20] =	ssyncadd.s32 $0xFFFFEC00  }
0x2e: {  	[hbm4b:s7+s3] =	stream.linear.scatter [tilespmem:s14], [sflag:$0x5], $0x1400, $0x38;
	[tilespmem:$0x6400] =	vst v63  }
0x2f: {  	_ =	swait.ge [sflag:s21], $0x1400  }
0x30: {  	[sflag:s21] =	ssyncset.done $0x0  }
0x31: {  	[sflag:s21] =	ssyncadd.s32 $0xFFFFEC00  }
0x32: {  	[hbm4b:s8+s3] =	stream.linear.scatter [tilespmem:s15], [sflag:$0x6], $0x1400, $0x38;
	[tilespmem:$0x6400] =	vst v63  }
0x33: {  	_ =	swait.ge [sflag:s22], $0x1400  }
0x34: {  	[sflag:s22] =	ssyncset.done $0x0  }
0x35: {  	[sflag:s22] =	ssyncadd.s32 $0xFFFFEC00  }
0x36: {  	[hbm4b:s9+s3] =	stream.linear.scatter [tilespmem:s17], [sflag:$0x7], $0x1400, $0x38;
	[tilespmem:$0x6400] =	vst v63  }
0x37: {  	_ =	swait.ge [sflag:s23], $0x1400  }
0x38: {  	[sflag:s23] =	ssyncset.done $0x0  }
0x39: {  	[sflag:s23] =	ssyncadd.s32 $0xFFFFEC00  }
0x3a: {  	[tilespmem:s14], [sflag:$0x1] =	stream.indirect.gather [hbm4b:s2+s13], $0x80, s24, s13, $0xb8;
	[tilespmem:$0x6400] =	vst v63  }
0x3b: {  	_ =	swait.ge [sflag:s25], $0x1400  }
0x3c: {  	[sflag:s25] =	ssyncset.done $0x0  }
0x3d: {  	[sflag:s25] =	ssyncadd.s32 $0xFFFFEC00  }
0x3e: {  	[hbm4b:s10+s3] =	stream.linear.scatter [tilespmem:s19], [sflag:$0x8], $0x1400, $0x38;
	[tilespmem:$0x6400] =	vst v63  }
0x3f: {  	_ =	swait.ge [sflag:s26], $0x1400  }
0x40: {  	[sflag:s26] =	ssyncset.done $0x0  }
0x41: {  	s1 =	simm.s32 $0x168;
	s0 =	simm.s32 $0x0;
	[sflag:s26] =	ssyncadd.s32 $0xFFFFEC00  }
0x42: {  	[tilespmem:s15], [sflag:$0x2] =	stream.indirect.gather [hbm4b:s2+s13], $0x80, s28, s13, $0xb8;
	[tilespmem:$0x6400] =	vst v63  }
.LBB2_2:
0x43: {  	_ =	swait.ge [sflag:s20], $0x1400  }
0x44: {  	s16 =	sadd.s32 s0, s11;
	[sflag:s20] =	ssyncset.done $0x0  }
0x45: {  	s18 =	sadd.s32 $0xA00, s16;
	[sflag:s20] =	ssyncadd.s32 $0xFFFFEC00  }
0x46: {  	[hbm4b:s18+s3] =	stream.linear.scatter [tilespmem:s14], [sflag:$0x5], $0x1400, $0x38;
	[tilespmem:$0x6400] =	vst v63  }
0x47: {  	_ =	swait.ge [sflag:s29], $0x1400  }
0x48: {  	[sflag:s29] =	ssyncset.done $0x0  }
0x49: {  	s18 =	sadd.s32 $0xFFFFFF88, s1;
	[sflag:s29] =	ssyncadd.s32 $0xFFFFEC00  }
0x4a: {  	[tilespmem:s17], [sflag:$0x3] =	stream.indirect.gather [hbm4b:s2+s13], $0x80, s18, s13, $0xb8;
	[tilespmem:$0x6400] =	vst v63  }
0x4b: {  	_ =	swait.ge [sflag:s21], $0x1400  }
0x4c: {  	[sflag:s21] =	ssyncset.done $0x0  }
0x4d: {  	s18 =	sadd.s32 $0xC80, s16;
	[sflag:s21] =	ssyncadd.s32 $0xFFFFEC00  }
0x4e: {  	[hbm4b:s18+s3] =	stream.linear.scatter [tilespmem:s15], [sflag:$0x6], $0x1400, $0x38;
	[tilespmem:$0x6400] =	vst v63  }
0x4f: {  	_ =	swait.ge [sflag:s30], $0x1400  }
0x50: {  	[sflag:s30] =	ssyncset.done $0x0  }
0x51: {  	s18 =	sadd.s32 $0xFFFFFFB0, s1;
	[sflag:s30] =	ssyncadd.s32 $0xFFFFEC00  }
0x52: {  	[tilespmem:s19], [sflag:$0x4] =	stream.indirect.gather [hbm4b:s2+s13], $0x80, s18, s13, $0xb8;
	[tilespmem:$0x6400] =	vst v63  }
0x53: {  	_ =	swait.ge [sflag:s22], $0x1400  }
0x54: {  	[sflag:s22] =	ssyncset.done $0x0  }
0x55: {  	s18 =	sadd.s32 $0xF00, s16;
	[sflag:s22] =	ssyncadd.s32 $0xFFFFEC00  }
0x56: {  	[hbm4b:s18+s3] =	stream.linear.scatter [tilespmem:s17], [sflag:$0x7], $0x1400, $0x38;
	[tilespmem:$0x6400] =	vst v63  }
0x57: {  	_ =	swait.ge [sflag:s23], $0x1400  }
0x58: {  	[sflag:s23] =	ssyncset.done $0x0  }
0x59: {  	s18 =	sadd.s32 $0xFFFFFFD8, s1;
	[sflag:s23] =	ssyncadd.s32 $0xFFFFEC00  }
0x5a: {  	[tilespmem:s14], [sflag:$0x1] =	stream.indirect.gather [hbm4b:s2+s13], $0x80, s18, s13, $0xb8;
	[tilespmem:$0x6400] =	vst v63  }
0x5b: {  	_ =	swait.ge [sflag:s25], $0x1400  }
0x5c: {  	p0 =	seq.s32 s0, $0x12200;
	[sflag:s25] =	ssyncset.done $0x0  }
.Ltmp2:
0x5d: {  	s16 =	sadd.s32 $0x1180, s16;
	[sflag:s25] =	ssyncadd.s32 $0xFFFFEC00;
	(pc) =	sbr.rel @p0 .LBB2_4-.Ltmp2, $4  }
0x5e: {  	[hbm4b:s16+s3] =	stream.linear.scatter [tilespmem:s19], [sflag:$0x8], $0x1400, $0x38;
	[tilespmem:$0x6400] =	vst v63  }
0x5f: {  	_ =	swait.ge [sflag:s26], $0x1400  }
0x60: {  	[sflag:s26] =	ssyncset.done $0x0  }
0x61: {  	[sflag:s26] =	ssyncadd.s32 $0xFFFFEC00  }
.Ltmp3:
0x62: {  	(pc) =	sbr.rel .LBB2_2-.Ltmp3, $3  }
0x63: {  	_ =	sdelay $0x1  }
0x64: {  	[tilespmem:s15], [sflag:$0x2] =	stream.indirect.gather [hbm4b:s2+s13], $0x80, s1, s13, $0xb8;
	[tilespmem:$0x6400] =	vst v63  }
0x65: {  	s0 =	sadd.s32 $0xA00, s0;
	s1 =	sadd.s32 $0xA0, s1  }
.LBB2_5:
0x66: {  	_ =	sfence.sel $0x180000  }
0x67: {  	[bflag:$0x0] =	sbarrier.arrive $0xFFFF  }
0x68: {  	_ =	strace $0x90000047  }
0x69: {  	s0 =	stileid.u32;
	[bflag:$0x2] =	sbarrier.arrive $0xFFFF  }
0x6a: {  	p0 =	sne.s32 s0, $0x0;
	s0 =	rddreg [dreg:$0x2]  }
0x6b: {  	s0 =	sadd.s32 @!p0 $0x100000, s0  }
0x6c: {  	[sflag:s0] =	ssyncadd.tile.s32 @!p0 $0x1;
	_ =	shalt  }
.Lfunc_end2:
_tile_overlayer_lowered:
.L_overlay_start_2:
0x6d: {  	(tag) =	ssettag $0x2  }
0x6e: {  	s0 =	rddreg [dreg:$0x0];
	s2 =	stileid.u32  }
0x6f: {  	s1 =	rddreg [dreg:$0x1];
	p0 =	sne.s32 s2, $0x0  }
0x70: {  	s3 =	rddreg [dreg:$0x2];
	[bflag:$0x3] =	sbarrier.arrive $0xFFFF;
	s2 =	simm.s32 @!p0 $0x1C09  }
0x71: {  	[timem:s3], [sflag:s2] =	dma.local @!p0 [hbm:s0], s1  }
0x72: {  	s0 =	simm.s32 @!p0 $0x9  }
0x73: {  	_ =	swait.ge @!p0 [sflag:s0], s1  }
0x74: {  	s1 =	ssub.s32 @!p0 $0x0, s1;
	[sflag:s0] =	ssyncset.done @!p0 $0x0  }
0x75: {  	[sflag:s0] =	ssyncadd.s32 @!p0 s1  }
0x76: {  	[bflag:$0x3] =	sbarrier.arrive $0xFFFF  }
0x77: {  	_ =	shalt  }

</sc_bundles>
